<compile_context>
chip_gen: v7x
topology: tpu7x:2x2x1
jax: 0.10.2.dev20260603
libtpu: 0.0.44.dev20260713+nightly
codegen_flags: <defaults>
</compile_context>

<pallas_src>
import jax
import jax.numpy as jnp
import ml_dtypes as _mld
import numpy as _np
from jax import lax
from jax.experimental import pallas as pl
from jax.experimental.pallas import tpu as pltpu
from jax.experimental.pallas import tpu_sc as plsc

E = 8
DM = 1024
DF = 4096
CAP = 640
NSLOT = E * CAP
NC = 2
NS = 16
NW = NC * NS
L = 16
TSEQ = 2048
TPW = TSEQ // NW
NROW = 5248
TRASH = NSLOT
FT = 2048

_TRI = _np.tril(_np.ones((TSEQ, TSEQ), _np.float32)).astype(_mld.bfloat16)


def _gate_body(x_ref, wg_ref, tri_ref, d1_ref, d2_ref, g1_ref, g2_ref,
               fill_ref, sw_ref, xmean_ref, g1r_ref, g2r_ref):
    xf = x_ref[...]
    T = xf.shape[0]
    logits = jnp.dot(xf, wg_ref[...], preferred_element_type=jnp.float32)
    iotaE = lax.broadcasted_iota(jnp.int32, (T, E), 1)
    l1 = jnp.max(logits, axis=-1, keepdims=True)
    e1 = jnp.min(jnp.where(logits >= l1, iotaE, E), axis=-1, keepdims=True)
    lm = jnp.where(iotaE == e1, -jnp.inf, logits)
    l2 = jnp.max(lm, axis=-1, keepdims=True)
    e2 = jnp.min(jnp.where(lm >= l2, iotaE, E), axis=-1, keepdims=True)
    g1v = 1.0 / (1.0 + jnp.exp(l2 - l1))
    g2v = 1.0 - g1v
    mask1 = (iotaE == e1).astype(jnp.float32)
    mask2 = (iotaE == e2).astype(jnp.float32)
    both = jnp.concatenate([mask1, mask2], axis=1)
    cum = jnp.dot(tri_ref[...], both.astype(jnp.bfloat16),
                  preferred_element_type=jnp.float32)
    cum1 = cum[:, :E]
    cum2 = cum[:, E:]
    n1 = cum1[T - 1:T, :]
    n2 = cum2[T - 1:T, :]
    loc1 = cum1 - 1.0
    loc2 = cum2 - 1.0 + n1
    m1k = mask1 * (loc1 < CAP).astype(jnp.float32)
    m2k = mask2 * (loc2 < CAP).astype(jnp.float32)
    pos1 = jnp.sum(loc1 * m1k, axis=-1, keepdims=True).astype(jnp.int32)
    pos2 = jnp.sum(loc2 * m2k, axis=-1, keepdims=True).astype(jnp.int32)
    kept1 = jnp.sum(m1k, axis=-1, keepdims=True)
    kept2 = jnp.sum(m2k, axis=-1, keepdims=True)
    g1 = g1v * kept1
    g2 = g2v * kept2
    d1 = e1 * CAP + pos1
    d2 = e2 * CAP + pos2
    d1_ref[...] = jnp.where(kept1 > 0.0, d1, TRASH)
    d2_ref[...] = jnp.where(kept2 > 0.0, d2, TRASH)
    g1_ref[...] = g1
    g2_ref[...] = g2
    g1r_ref[...] = jnp.broadcast_to(g1, (T, 128))
    g2r_ref[...] = jnp.broadcast_to(g2, (T, 128))
    fill_ref[...] = jnp.minimum(n1 + n2, float(CAP))
    sw_ref[...] = jnp.sum(m1k * g1 + m2k * g2, axis=0, keepdims=True)
    xmean_ref[...] = jnp.sum(xf, axis=0, keepdims=True) * (1.0 / T)


def _gate(xf, Wg, tri):
    T = xf.shape[0]
    f32, i32 = jnp.float32, jnp.int32
    outs = [((T, 1), i32), ((T, 1), i32), ((T, 1), f32), ((T, 1), f32),
            ((1, E), f32), ((1, E), f32), ((1, DM), f32),
            ((T, 128), f32), ((T, 128), f32)]
    return pl.pallas_call(
        _gate_body,
        out_shape=[jax.ShapeDtypeStruct(s, d) for s, d in outs],
    )(xf, Wg, tri)


def _dispatch_body(d1_hbm, d2_hbm, g1r_hbm, g2r_hbm, xf_hbm,
                   buf_hbm, wbuf_hbm,
                   idx1v, idx2v, rowsv, g1v, g2v,
                   sem1, sem2, sem3, sem4):
    cid = lax.axis_index("c")
    sid = lax.axis_index("s")
    wid = sid * NC + cid
    t0 = wid * TPW

    pltpu.sync_copy(xf_hbm.at[pl.ds(t0, TPW)], rowsv)
    pltpu.sync_copy(d1_hbm.at[pl.ds(t0, TPW)], idx1v)
    pltpu.sync_copy(d2_hbm.at[pl.ds(t0, TPW)], idx2v)
    pltpu.sync_copy(g1r_hbm.at[pl.ds(t0, TPW)], g1v)
    pltpu.sync_copy(g2r_hbm.at[pl.ds(t0, TPW)], g2v)
    cp1 = pltpu.async_copy(rowsv, buf_hbm.at[idx1v], sem1)
    cp2 = pltpu.async_copy(rowsv, buf_hbm.at[idx2v], sem2)
    cp3 = pltpu.async_copy(g1v, wbuf_hbm.at[idx1v], sem3)
    cp4 = pltpu.async_copy(g2v, wbuf_hbm.at[idx2v], sem4)
    cp1.wait()
    cp2.wait()
    cp3.wait()
    cp4.wait()


def _dispatch(d1, d2, g1r, g2r, xf):
    T = xf.shape[0]
    mesh = plsc.VectorSubcoreMesh(core_axis_name="c", subcore_axis_name="s")
    f32, i32 = jnp.float32, jnp.int32
    kern = pl.kernel(
        _dispatch_body,
        out_type=[jax.ShapeDtypeStruct((NROW, DM), f32),
                  jax.ShapeDtypeStruct((NROW, 128), f32)],
        mesh=mesh,
        scratch_types=[
            pltpu.VMEM((TPW,), i32), pltpu.VMEM((TPW,), i32),
            pltpu.VMEM((TPW, DM), f32),
            pltpu.VMEM((TPW, 128), f32), pltpu.VMEM((TPW, 128), f32),
            pltpu.SemaphoreType.DMA, pltpu.SemaphoreType.DMA,
            pltpu.SemaphoreType.DMA, pltpu.SemaphoreType.DMA,
        ],
        compiler_params=pltpu.CompilerParams(needs_layout_passes=False),
    )
    return kern(d1, d2, g1r, g2r, xf)


NCH = DF // FT


def _ffn_body(buf_ref, w1_ref, b1_ref, wbuf_ref, fill_ref, w2_ref, xmean_ref,
              sw_ref, b2_ref, y_ref, out_ref, xbf_ref, wcol_ref, sent_ref):
    e = pl.program_id(0)
    c = pl.program_id(1)

    @pl.when(jnp.logical_and(e == 0, c == 0))
    def _():
        sent_ref[...] = jnp.zeros_like(sent_ref)

    rowE = lax.broadcasted_iota(jnp.int32, (1, E), 1)

    @pl.when(c == 0)
    def _():
        fe = jnp.sum(jnp.where(rowE == e, fill_ref[...], 0.0))
        rows = lax.broadcasted_iota(jnp.int32, (CAP, 1), 0)
        live = rows.astype(jnp.float32) < fe
        xbf_ref[...] = jnp.where(live, buf_ref[...], 0.0).astype(jnp.bfloat16)
        wcol_ref[...] = jnp.where(live, wbuf_ref[:, :1], 0.0)

    @pl.when(c > 0)
    def _():
        w1c = w1_ref[0].astype(jnp.bfloat16)
        h = jnp.dot(xbf_ref[...], w1c, preferred_element_type=jnp.float32)
        rowEF = lax.broadcasted_iota(jnp.int32, (E, FT), 0)
        b1row = jnp.sum(jnp.where(rowEF == e, b1_ref[...], 0.0), axis=0,
                        keepdims=True)
        h = jnp.maximum(h + b1row, 0.0)
        red = jnp.sum(h * wcol_ref[...], axis=0, keepdims=True)
        sent_ref[...] += jnp.dot(red, w2_ref[0],
                                 preferred_element_type=jnp.float32)

    @pl.when(jnp.logical_and(e == E - 1, c == NCH))
    def _():
        bias = jnp.dot(sw_ref[...], b2_ref[...],
                       preferred_element_type=jnp.float32)
        sent = xmean_ref[...] + (sent_ref[...] + bias) * (1.0 / TSEQ)
        mm = jnp.max(sent)
        lse = jnp.log(jnp.sum(jnp.exp(sent - mm))) + mm
        col = lax.broadcasted_iota(jnp.int32, (1, DM), 1)
        tgt = jnp.sum(jnp.where(col == y_ref[0, 0], sent, 0.0))
        out_ref[0, 0] = lse - tgt


def _ffn_loss(buf2d, W1, b1, wbuf, fill, W2, xmean, sw, b2, y2):
    grid = (E, NCH + 1)
    cc = lambda c: jnp.maximum(c - 1, 0)
    return pl.pallas_call(
        _ffn_body,
        grid=grid,
        in_specs=[
            pl.BlockSpec((CAP, DM), lambda e, c: (e, 0)),
            pl.BlockSpec((1, DM, FT), lambda e, c: (e, 0, cc(c))),
            pl.BlockSpec((E, FT), lambda e, c: (0, cc(c))),
            pl.BlockSpec((CAP, 128), lambda e, c: (e, 0)),
            pl.BlockSpec((1, E), lambda e, c: (0, 0)),
            pl.BlockSpec((1, FT, DM), lambda e, c: (e, cc(c), 0)),
            pl.BlockSpec((1, DM), lambda e, c: (0, 0)),
            pl.BlockSpec((1, E), lambda e, c: (0, 0)),
            pl.BlockSpec((E, DM), lambda e, c: (0, 0)),
            pl.BlockSpec(memory_space=pltpu.SMEM),
        ],
        out_specs=pl.BlockSpec(memory_space=pltpu.SMEM),
        out_shape=jax.ShapeDtypeStruct((1, 1), jnp.float32),
        compiler_params=pltpu.CompilerParams(
            vmem_limit_bytes=120 * 1024 * 1024),
        scratch_shapes=[pltpu.VMEM((CAP, DM), jnp.bfloat16),
                        pltpu.VMEM((CAP, 1), jnp.float32),
                        pltpu.VMEM((1, DM), jnp.float32)],
    )(buf2d, W1, b1, wbuf, fill, W2, xmean, sw, b2, y2)


def kernel(x, y, Wg, W1, b1, W2, b2):
    B, S, _ = x.shape
    T = B * S
    xf = x.reshape(T, DM)
    tri = jnp.asarray(_TRI)
    d1, d2, g1, g2, fill, sw, xmean, g1r, g2r = _gate(xf, Wg, tri)
    buf, wbuf = _dispatch(d1.reshape(T), d2.reshape(T), g1r, g2r, xf)
    y2 = y.astype(jnp.int32).reshape(1, 1)
    loss = _ffn_loss(buf, W1, b1, wbuf, fill, W2, xmean, sw, b2, y2)
    return loss.reshape(())

# --- scband reference (transcript-rebuilt; emitter-appended) ---
"""Pipeline reference for scband-simple-prmo-emodel-46823733461623 (READ-ONLY COPY).

The authoritative reference and input builder live on the scoring server;
editing this copy changes nothing except your own understanding.
"""

import jax, jax.numpy as jnp
import numpy as np

E = 8
TOPK = 2
DM = 1024
DF = 4096
B = 1
S = 2048
CAP = 640
NCLS = 1024


def setup_inputs(seed: int = 0) -> dict:
    key = jax.random.key(seed)
    ks = jax.random.split(key, 8)
    x = jax.random.normal(ks[0], (B, S, DM), dtype=jnp.float32)
    y = jax.random.randint(ks[1], (B,), 0, NCLS)
    Wg = jax.random.normal(ks[2], (DM, E), dtype=jnp.float32) * 0.02
    W1 = jax.random.normal(ks[3], (E, DM, DF), dtype=jnp.float32) * 0.02
    b1 = jnp.zeros((E, DF), jnp.float32)
    W2 = jax.random.normal(ks[4], (E, DF, DM), dtype=jnp.float32) * 0.02
    b2 = jnp.zeros((E, DM), jnp.float32)
    return {"x": x, "y": y, "Wg": Wg, "W1": W1, "b1": b1, "W2": W2, "b2": b2}


def _moe(xf, Wg, W1, b1, W2, b2):
    # top-2 gated MoE with fixed expert capacity (PR-MoE style dispatch)
    logits = xf @ Wg                                   # [T, E]
    gates = jax.nn.softmax(logits, axis=-1)
    g_vals, g_idx = jax.lax.top_k(gates, TOPK)          # [T, 2]
    g_vals = g_vals / (jnp.sum(g_vals, axis=-1, keepdims=True) + 1e-9)
    e1 = g_idx[:, 0]
    e2 = g_idx[:, 1]
    mask1 = jax.nn.one_hot(e1, E, dtype=xf.dtype)       # [T, E]
    mask2 = jax.nn.one_hot(e2, E, dtype=xf.dtype)
    loc1 = jnp.cumsum(mask1, axis=0) - 1.0
    loc2 = jnp.cumsum(mask2, axis=0) - 1.0 + jnp.sum(mask1, axis=0, keepdims=True)
    mask1 = mask1 * (loc1 < CAP).astype(xf.dtype)
    mask2 = mask2 * (loc2 < CAP).astype(xf.dtype)
    pos1 = jnp.sum(loc1 * mask1, axis=-1).astype(jnp.int32)  # [T]
    pos2 = jnp.sum(loc2 * mask2, axis=-1).astype(jnp.int32)
    kept1 = jnp.sum(mask1, axis=-1)                     # [T] 0/1
    kept2 = jnp.sum(mask2, axis=-1)
    g1 = g_vals[:, 0] * kept1
    g2 = g_vals[:, 1] * kept2
    # dispatch: scatter-add tokens into per-expert capacity buffers (SparseCore scatter)
    buf = jnp.zeros((E, CAP, DM), xf.dtype)
    buf = buf.at[e1, pos1].add(xf * kept1[:, None], mode="drop")
    buf = buf.at[e2, pos2].add(xf * kept2[:, None], mode="drop")
    # per-expert FFN
    h = jax.nn.relu(jnp.einsum("ecd,edf->ecf", buf, W1) + b1[:, None, :])
    eo = jnp.einsum("ecf,efd->ecd", h, W2) + b2[:, None, :]
    # combine: gather expert outputs back to token order (SparseCore gather)
    out = g1[:, None] * eo[e1, pos1] + g2[:, None] * eo[e2, pos2]
    return out


def _forward(x, y, Wg, W1, b1, W2, b2):
    Bb, Ss, D = x.shape
    xf = x.reshape(Bb * Ss, D)
    moe_out = _moe(xf, Wg, W1, b1, W2, b2).reshape(Bb, Ss, D)
    resid = x + moe_out
    sent = resid.mean(axis=1)                           # [B, DM]
    lse = jax.scipy.special.logsumexp(sent, axis=-1)
    tgt = jnp.take_along_axis(sent, y[:, None], axis=-1)[:, 0]
    return jnp.mean(lse - tgt)                          # scalar CE loss


def reference(x, y, Wg, W1, b1, W2, b2):
    return _forward(x, y, Wg, W1, b1, W2, b2)

if __name__ == "__main__":
    import jax
    _d = setup_inputs()
    print(jax.jit(kernel)(*tuple(_d.values())))

</pallas_src>

<mosaic_0001>
#map = affine_map<(d0, d1) -> (0)>
#map1 = affine_map<(d0, d1) -> (0, 0)>
module attributes {stable_mosaic.version = 14 : i64} {
  func.func @_dispatch_body(%arg0: i32, %arg1: i32, %arg2: memref<2048xi32, #tpu.memory_space<hbm>>, %arg3: memref<2048xi32, #tpu.memory_space<hbm>>, %arg4: memref<2048x128xf32, #tpu.memory_space<hbm>>, %arg5: memref<2048x128xf32, #tpu.memory_space<hbm>>, %arg6: memref<2048x1024xf32, #tpu.memory_space<hbm>>, %arg7: memref<5248x1024xf32, #tpu.memory_space<hbm>>, %arg8: memref<5248x128xf32, #tpu.memory_space<hbm>>, %arg9: memref<64xi32, #tpu.memory_space<vmem>>, %arg10: memref<64xi32, #tpu.memory_space<vmem>>, %arg11: memref<64x1024xf32, #tpu.memory_space<vmem>>, %arg12: memref<64x128xf32, #tpu.memory_space<vmem>>, %arg13: memref<64x128xf32, #tpu.memory_space<vmem>>, %arg14: memref<!tpu.dma_semaphore, #tpu.memory_space<semaphore_mem>>, %arg15: memref<!tpu.dma_semaphore, #tpu.memory_space<semaphore_mem>>, %arg16: memref<!tpu.dma_semaphore, #tpu.memory_space<semaphore_mem>>, %arg17: memref<!tpu.dma_semaphore, #tpu.memory_space<semaphore_mem>>) attributes {dimension_semantics = [#tpu.dimension_semantics<core_parallel>, #tpu.dimension_semantics<subcore_parallel>], iteration_bounds = array<i64: 2, 16>, scalar_prefetch = 0 : i64, scratch_operands = 9 : i64, tpu.core_type = #tpu.core_type<sc_vector_subcore>, window_params = [{transform_indices = #map}, {transform_indices = #map}, {transform_indices = #map1}, {transform_indices = #map1}, {transform_indices = #map1}, {transform_indices = #map1}, {transform_indices = #map1}]} {
    %mul3A = arith.constant 2 : i32
    %mul3A_0 = arith.muli %arg1, %mul3A : i32
    %add3A = arith.addi %mul3A_0, %arg0 : i32
    %mul3A_1 = arith.constant 64 : i32
    %mul3A_2 = arith.muli %add3A, %mul3A_1 : i32
    "tpu.region"() ({
      %run_scoped3A = tpu.sem_alloc : memref<!tpu.dma_semaphore, #tpu.memory_space<semaphore_mem>>
      %dma_start3A_25 = arith.constant 0 : i32
      %dma_start3A_26 = tpu.memref_slice %arg6[%mul3A_2, %dma_start3A_25] : memref<2048x1024xf32, #tpu.memory_space<hbm>> -> memref<64x1024xf32, #tpu.memory_space<hbm>>
      %dma_start3A_27 = arith.constant 0 : i32
      %dma_start3A_28 = tpu.memref_slice %arg6[%mul3A_2, %dma_start3A_27] : memref<2048x1024xf32, #tpu.memory_space<hbm>> -> memref<64x1024xf32, #tpu.memory_space<hbm>>
      tpu.enqueue_dma source(%dma_start3A_28 : memref<64x1024xf32, #tpu.memory_space<hbm>>) target(%arg11 : memref<64x1024xf32, #tpu.memory_space<vmem>>) target_semaphore(%run_scoped3A : memref<!tpu.dma_semaphore, #tpu.memory_space<semaphore_mem>>)
      %dma_wait3A_29 = arith.constant 0 : i32
      %dma_wait3A_30 = tpu.memref_slice %arg6[%mul3A_2, %dma_wait3A_29] : memref<2048x1024xf32, #tpu.memory_space<hbm>> -> memref<64x1024xf32, #tpu.memory_space<hbm>>
      %dma_wait3A_31 = arith.constant 0 : i32
      %dma_wait3A_32 = tpu.memref_slice %arg6[%mul3A_2, %dma_wait3A_31] : memref<2048x1024xf32, #tpu.memory_space<hbm>> -> memref<64x1024xf32, #tpu.memory_space<hbm>>
      tpu.wait_dma2 semaphore(%run_scoped3A : memref<!tpu.dma_semaphore, #tpu.memory_space<semaphore_mem>>) src(%dma_wait3A_32 : memref<64x1024xf32, #tpu.memory_space<hbm>>) dst(%arg11 : memref<64x1024xf32, #tpu.memory_space<vmem>>)
      tpu.yield
    }) : () -> ()
    "tpu.region"() ({
      %run_scoped3A = tpu.sem_alloc : memref<!tpu.dma_semaphore, #tpu.memory_space<semaphore_mem>>
      %dma_start3A_25 = tpu.memref_slice %arg2[%mul3A_2] : memref<2048xi32, #tpu.memory_space<hbm>> -> memref<64xi32, #tpu.memory_space<hbm>>
      %dma_start3A_26 = tpu.memref_slice %arg2[%mul3A_2] : memref<2048xi32, #tpu.memory_space<hbm>> -> memref<64xi32, #tpu.memory_space<hbm>>
      tpu.enqueue_dma source(%dma_start3A_26 : memref<64xi32, #tpu.memory_space<hbm>>) target(%arg9 : memref<64xi32, #tpu.memory_space<vmem>>) target_semaphore(%run_scoped3A : memref<!tpu.dma_semaphore, #tpu.memory_space<semaphore_mem>>)
      %dma_wait3A_27 = tpu.memref_slice %arg2[%mul3A_2] : memref<2048xi32, #tpu.memory_space<hbm>> -> memref<64xi32, #tpu.memory_space<hbm>>
      %dma_wait3A_28 = tpu.memref_slice %arg2[%mul3A_2] : memref<2048xi32, #tpu.memory_space<hbm>> -> memref<64xi32, #tpu.memory_space<hbm>>
      tpu.wait_dma2 semaphore(%run_scoped3A : memref<!tpu.dma_semaphore, #tpu.memory_space<semaphore_mem>>) src(%dma_wait3A_28 : memref<64xi32, #tpu.memory_space<hbm>>) dst(%arg9 : memref<64xi32, #tpu.memory_space<vmem>>)
      tpu.yield
    }) : () -> ()
    "tpu.region"() ({
      %run_scoped3A = tpu.sem_alloc : memref<!tpu.dma_semaphore, #tpu.memory_space<semaphore_mem>>
      %dma_start3A_25 = tpu.memref_slice %arg3[%mul3A_2] : memref<2048xi32, #tpu.memory_space<hbm>> -> memref<64xi32, #tpu.memory_space<hbm>>
      %dma_start3A_26 = tpu.memref_slice %arg3[%mul3A_2] : memref<2048xi32, #tpu.memory_space<hbm>> -> memref<64xi32, #tpu.memory_space<hbm>>
      tpu.enqueue_dma source(%dma_start3A_26 : memref<64xi32, #tpu.memory_space<hbm>>) target(%arg10 : memref<64xi32, #tpu.memory_space<vmem>>) target_semaphore(%run_scoped3A : memref<!tpu.dma_semaphore, #tpu.memory_space<semaphore_mem>>)
      %dma_wait3A_27 = tpu.memref_slice %arg3[%mul3A_2] : memref<2048xi32, #tpu.memory_space<hbm>> -> memref<64xi32, #tpu.memory_space<hbm>>
      %dma_wait3A_28 = tpu.memref_slice %arg3[%mul3A_2] : memref<2048xi32, #tpu.memory_space<hbm>> -> memref<64xi32, #tpu.memory_space<hbm>>
      tpu.wait_dma2 semaphore(%run_scoped3A : memref<!tpu.dma_semaphore, #tpu.memory_space<semaphore_mem>>) src(%dma_wait3A_28 : memref<64xi32, #tpu.memory_space<hbm>>) dst(%arg10 : memref<64xi32, #tpu.memory_space<vmem>>)
      tpu.yield
    }) : () -> ()
    "tpu.region"() ({
      %run_scoped3A = tpu.sem_alloc : memref<!tpu.dma_semaphore, #tpu.memory_space<semaphore_mem>>
      %dma_start3A_25 = arith.constant 0 : i32
      %dma_start3A_26 = tpu.memref_slice %arg4[%mul3A_2, %dma_start3A_25] : memref<2048x128xf32, #tpu.memory_space<hbm>> -> memref<64x128xf32, #tpu.memory_space<hbm>>
      %dma_start3A_27 = arith.constant 0 : i32
      %dma_start3A_28 = tpu.memref_slice %arg4[%mul3A_2, %dma_start3A_27] : memref<2048x128xf32, #tpu.memory_space<hbm>> -> memref<64x128xf32, #tpu.memory_space<hbm>>
      tpu.enqueue_dma source(%dma_start3A_28 : memref<64x128xf32, #tpu.memory_space<hbm>>) target(%arg12 : memref<64x128xf32, #tpu.memory_space<vmem>>) target_semaphore(%run_scoped3A : memref<!tpu.dma_semaphore, #tpu.memory_space<semaphore_mem>>)
      %dma_wait3A_29 = arith.constant 0 : i32
      %dma_wait3A_30 = tpu.memref_slice %arg4[%mul3A_2, %dma_wait3A_29] : memref<2048x128xf32, #tpu.memory_space<hbm>> -> memref<64x128xf32, #tpu.memory_space<hbm>>
      %dma_wait3A_31 = arith.constant 0 : i32
      %dma_wait3A_32 = tpu.memref_slice %arg4[%mul3A_2, %dma_wait3A_31] : memref<2048x128xf32, #tpu.memory_space<hbm>> -> memref<64x128xf32, #tpu.memory_space<hbm>>
      tpu.wait_dma2 semaphore(%run_scoped3A : memref<!tpu.dma_semaphore, #tpu.memory_space<semaphore_mem>>) src(%dma_wait3A_32 : memref<64x128xf32, #tpu.memory_space<hbm>>) dst(%arg12 : memref<64x128xf32, #tpu.memory_space<vmem>>)
      tpu.yield
    }) : () -> ()
    "tpu.region"() ({
      %run_scoped3A = tpu.sem_alloc : memref<!tpu.dma_semaphore, #tpu.memory_space<semaphore_mem>>
      %dma_start3A_25 = arith.constant 0 : i32
      %dma_start3A_26 = tpu.memref_slice %arg5[%mul3A_2, %dma_start3A_25] : memref<2048x128xf32, #tpu.memory_space<hbm>> -> memref<64x128xf32, #tpu.memory_space<hbm>>
      %dma_start3A_27 = arith.constant 0 : i32
      %dma_start3A_28 = tpu.memref_slice %arg5[%mul3A_2, %dma_start3A_27] : memref<2048x128xf32, #tpu.memory_space<hbm>> -> memref<64x128xf32, #tpu.memory_space<hbm>>
      tpu.enqueue_dma source(%dma_start3A_28 : memref<64x128xf32, #tpu.memory_space<hbm>>) target(%arg13 : memref<64x128xf32, #tpu.memory_space<vmem>>) target_semaphore(%run_scoped3A : memref<!tpu.dma_semaphore, #tpu.memory_space<semaphore_mem>>)
      %dma_wait3A_29 = arith.constant 0 : i32
      %dma_wait3A_30 = tpu.memref_slice %arg5[%mul3A_2, %dma_wait3A_29] : memref<2048x128xf32, #tpu.memory_space<hbm>> -> memref<64x128xf32, #tpu.memory_space<hbm>>
      %dma_wait3A_31 = arith.constant 0 : i32
      %dma_wait3A_32 = tpu.memref_slice %arg5[%mul3A_2, %dma_wait3A_31] : memref<2048x128xf32, #tpu.memory_space<hbm>> -> memref<64x128xf32, #tpu.memory_space<hbm>>
      tpu.wait_dma2 semaphore(%run_scoped3A : memref<!tpu.dma_semaphore, #tpu.memory_space<semaphore_mem>>) src(%dma_wait3A_32 : memref<64x128xf32, #tpu.memory_space<hbm>>) dst(%arg13 : memref<64x128xf32, #tpu.memory_space<vmem>>)
      tpu.yield
    }) : () -> ()
    %dma_start3A = arith.constant 0 : i32
    %dma_start3A_3 = arith.constant 0 : i32
    %dma_start3A_4 = tpu.memref_slice %arg7[%dma_start3A, %dma_start3A_3] : memref<5248x1024xf32, #tpu.memory_space<hbm>> -> memref<5248x1024xf32, #tpu.memory_space<hbm>>
    tpu.enqueue_indirect_dma source(%arg11 : memref<64x1024xf32, #tpu.memory_space<vmem>>) target(%dma_start3A_4 : memref<5248x1024xf32, #tpu.memory_space<hbm>>) offsets(%arg9 : memref<64xi32, #tpu.memory_space<vmem>>) semaphore(%arg14 : memref<!tpu.dma_semaphore, #tpu.memory_space<semaphore_mem>>)
    %dma_start3A_5 = arith.constant 0 : i32
    %dma_start3A_6 = arith.constant 0 : i32
    %dma_start3A_7 = tpu.memref_slice %arg7[%dma_start3A_5, %dma_start3A_6] : memref<5248x1024xf32, #tpu.memory_space<hbm>> -> memref<5248x1024xf32, #tpu.memory_space<hbm>>
    tpu.enqueue_indirect_dma source(%arg11 : memref<64x1024xf32, #tpu.memory_space<vmem>>) target(%dma_start3A_7 : memref<5248x1024xf32, #tpu.memory_space<hbm>>) offsets(%arg10 : memref<64xi32, #tpu.memory_space<vmem>>) semaphore(%arg15 : memref<!tpu.dma_semaphore, #tpu.memory_space<semaphore_mem>>)
    %dma_start3A_8 = arith.constant 0 : i32
    %dma_start3A_9 = arith.constant 0 : i32
    %dma_start3A_10 = tpu.memref_slice %arg8[%dma_start3A_8, %dma_start3A_9] : memref<5248x128xf32, #tpu.memory_space<hbm>> -> memref<5248x128xf32, #tpu.memory_space<hbm>>
    tpu.enqueue_indirect_dma source(%arg12 : memref<64x128xf32, #tpu.memory_space<vmem>>) target(%dma_start3A_10 : memref<5248x128xf32, #tpu.memory_space<hbm>>) offsets(%arg9 : memref<64xi32, #tpu.memory_space<vmem>>) semaphore(%arg16 : memref<!tpu.dma_semaphore, #tpu.memory_space<semaphore_mem>>)
    %dma_start3A_11 = arith.constant 0 : i32
    %dma_start3A_12 = arith.constant 0 : i32
    %dma_start3A_13 = tpu.memref_slice %arg8[%dma_start3A_11, %dma_start3A_12] : memref<5248x128xf32, #tpu.memory_space<hbm>> -> memref<5248x128xf32, #tpu.memory_space<hbm>>
    tpu.enqueue_indirect_dma source(%arg13 : memref<64x128xf32, #tpu.memory_space<vmem>>) target(%dma_start3A_13 : memref<5248x128xf32, #tpu.memory_space<hbm>>) offsets(%arg10 : memref<64xi32, #tpu.memory_space<vmem>>) semaphore(%arg17 : memref<!tpu.dma_semaphore, #tpu.memory_space<semaphore_mem>>)
    %dma_wait3A = arith.constant 0 : i32
    %dma_wait3A_14 = arith.constant 0 : i32
    %dma_wait3A_15 = tpu.memref_slice %arg7[%dma_wait3A, %dma_wait3A_14] : memref<5248x1024xf32, #tpu.memory_space<hbm>> -> memref<5248x1024xf32, #tpu.memory_space<hbm>>
    tpu.wait_indirect_dma semaphore(%arg14 : memref<!tpu.dma_semaphore, #tpu.memory_space<semaphore_mem>>) src(%arg11 : memref<64x1024xf32, #tpu.memory_space<vmem>>) dst(%dma_wait3A_15 : memref<5248x1024xf32, #tpu.memory_space<hbm>>)
    %dma_wait3A_16 = arith.constant 0 : i32
    %dma_wait3A_17 = arith.constant 0 : i32
    %dma_wait3A_18 = tpu.memref_slice %arg7[%dma_wait3A_16, %dma_wait3A_17] : memref<5248x1024xf32, #tpu.memory_space<hbm>> -> memref<5248x1024xf32, #tpu.memory_space<hbm>>
    tpu.wait_indirect_dma semaphore(%arg15 : memref<!tpu.dma_semaphore, #tpu.memory_space<semaphore_mem>>) src(%arg11 : memref<64x1024xf32, #tpu.memory_space<vmem>>) dst(%dma_wait3A_18 : memref<5248x1024xf32, #tpu.memory_space<hbm>>)
    %dma_wait3A_19 = arith.constant 0 : i32
    %dma_wait3A_20 = arith.constant 0 : i32
    %dma_wait3A_21 = tpu.memref_slice %arg8[%dma_wait3A_19, %dma_wait3A_20] : memref<5248x128xf32, #tpu.memory_space<hbm>> -> memref<5248x128xf32, #tpu.memory_space<hbm>>
    tpu.wait_indirect_dma semaphore(%arg16 : memref<!tpu.dma_semaphore, #tpu.memory_space<semaphore_mem>>) src(%arg12 : memref<64x128xf32, #tpu.memory_space<vmem>>) dst(%dma_wait3A_21 : memref<5248x128xf32, #tpu.memory_space<hbm>>)
    %dma_wait3A_22 = arith.constant 0 : i32
    %dma_wait3A_23 = arith.constant 0 : i32
    %dma_wait3A_24 = tpu.memref_slice %arg8[%dma_wait3A_22, %dma_wait3A_23] : memref<5248x128xf32, #tpu.memory_space<hbm>> -> memref<5248x128xf32, #tpu.memory_space<hbm>>
    tpu.wait_indirect_dma semaphore(%arg17 : memref<!tpu.dma_semaphore, #tpu.memory_space<semaphore_mem>>) src(%arg13 : memref<64x128xf32, #tpu.memory_space<vmem>>) dst(%dma_wait3A_24 : memref<5248x128xf32, #tpu.memory_space<hbm>>)
    return
  }
}

module attributes {stable_mosaic.version = 14 : i64} {
  func.func @_gate_body(%arg0: memref<2048x1024xf32, #tpu.memory_space<vmem>>, %arg1: memref<1024x8xf32, #tpu.memory_space<vmem>>, %arg2: memref<2048x2048xbf16, #tpu.memory_space<vmem>>, %arg3: memref<2048x1xi32, #tpu.memory_space<vmem>>, %arg4: memref<2048x1xi32, #tpu.memory_space<vmem>>, %arg5: memref<2048x1xf32, #tpu.memory_space<vmem>>, %arg6: memref<2048x1xf32, #tpu.memory_space<vmem>>, %arg7: memref<1x8xf32, #tpu.memory_space<vmem>>, %arg8: memref<1x8xf32, #tpu.memory_space<vmem>>, %arg9: memref<1x1024xf32, #tpu.memory_space<vmem>>, %arg10: memref<2048x128xf32, #tpu.memory_space<vmem>>, %arg11: memref<2048x128xf32, #tpu.memory_space<vmem>>) attributes {dimension_semantics = [], scalar_prefetch = 0 : i64, scratch_operands = 0 : i64, tpu.core_type = #tpu.core_type<tc>} {
    %get3A = arith.constant 0 : index
    %get3A_0 = arith.constant 0 : index
    %get3A_1 = vector.load %arg0[%get3A, %get3A_0] : memref<2048x1024xf32, #tpu.memory_space<vmem>>, vector<2048x1024xf32>
    %get3A_2 = arith.constant 0 : index
    %get3A_3 = arith.constant 0 : index
    %get3A_4 = vector.load %arg1[%get3A_2, %get3A_3] : memref<1024x8xf32, #tpu.memory_space<vmem>>, vector<1024x8xf32>
    %dot_general3A = arith.constant dense<0.000000e+00> : vector<2048x8xf32>
    %dot_general3A_5 = tpu.matmul %get3A_1, %get3A_4, %dot_general3A {dimension_numbers = #tpu.dot_dimension_numbers<[1], [0], [0], [1], [0, 0, 1, 1], [], []>, transpose_lhs_hint = false} : vector<2048x1024xf32>, vector<1024x8xf32>, vector<2048x8xf32> -> vector<2048x8xf32>
    %iota3A = tpu.iota {dimensions = array<i32: 1>} : vector<2048x8xi32>
    %reduce_max3A = arith.constant dense<0xFF800000> : vector<2048xf32>
    %reduce_max3A_6 = vector.multi_reduction <maximumf>, %dot_general3A_5, %reduce_max3A [1] : vector<2048x8xf32> to vector<2048xf32>
    %broadcast_in_dim3A = vector.shape_cast %reduce_max3A_6 : vector<2048xf32> to vector<2048x1xf32>
    %ge3A = vector.broadcast %broadcast_in_dim3A : vector<2048x1xf32> to vector<2048x8xf32>
    %ge3A_7 = arith.cmpf oge, %dot_general3A_5, %ge3A : vector<2048x8xf32>
    %jit3A = arith.constant 8 : i32
    %broadcast_in_dim3A_8 = vector.broadcast %jit3A : i32 to vector<2048x8xi32>
    %select_n3A = arith.select %ge3A_7, %iota3A, %broadcast_in_dim3A_8 : vector<2048x8xi1>, vector<2048x8xi32>
    %reduce_min3A = arith.constant dense<2147483647> : vector<2048xi32>
    %reduce_min3A_9 = vector.multi_reduction <minsi>, %select_n3A, %reduce_min3A [1] : vector<2048x8xi32> to vector<2048xi32>
    %broadcast_in_dim3A_10 = vector.shape_cast %reduce_min3A_9 : vector<2048xi32> to vector<2048x1xi32>
    %eq3A = vector.broadcast %broadcast_in_dim3A_10 : vector<2048x1xi32> to vector<2048x8xi32>
    %eq3A_11 = arith.cmpi eq, %iota3A, %eq3A : vector<2048x8xi32>
    %jit3A_12 = arith.constant 0xFF800000 : f32
    %broadcast_in_dim3A_13 = vector.broadcast %jit3A_12 : f32 to vector<2048x8xf32>
    %select_n3A_14 = arith.select %eq3A_11, %broadcast_in_dim3A_13, %dot_general3A_5 : vector<2048x8xi1>, vector<2048x8xf32>
    %reduce_max3A_15 = arith.constant dense<0xFF800000> : vector<2048xf32>
    %reduce_max3A_16 = vector.multi_reduction <maximumf>, %select_n3A_14, %reduce_max3A_15 [1] : vector<2048x8xf32> to vector<2048xf32>
    %broadcast_in_dim3A_17 = vector.shape_cast %reduce_max3A_16 : vector<2048xf32> to vector<2048x1xf32>
    %ge3A_18 = vector.broadcast %broadcast_in_dim3A_17 : vector<2048x1xf32> to vector<2048x8xf32>
    %ge3A_19 = arith.cmpf oge, %select_n3A_14, %ge3A_18 : vector<2048x8xf32>
    %jit3A_20 = arith.constant 8 : i32
    %broadcast_in_dim3A_21 = vector.broadcast %jit3A_20 : i32 to vector<2048x8xi32>
    %select_n3A_22 = arith.select %ge3A_19, %iota3A, %broadcast_in_dim3A_21 : vector<2048x8xi1>, vector<2048x8xi32>
    %reduce_min3A_23 = arith.constant dense<2147483647> : vector<2048xi32>
    %reduce_min3A_24 = vector.multi_reduction <minsi>, %select_n3A_22, %reduce_min3A_23 [1] : vector<2048x8xi32> to vector<2048xi32>
    %broadcast_in_dim3A_25 = vector.shape_cast %reduce_min3A_24 : vector<2048xi32> to vector<2048x1xi32>
    %sub3A = arith.subf %broadcast_in_dim3A_17, %broadcast_in_dim3A : vector<2048x1xf32>
    %exp3A = math.exp %sub3A : vector<2048x1xf32>
    %add3A = arith.constant 1.000000e+00 : f32
    %add3A_26 = vector.broadcast %add3A : f32 to vector<2048x1xf32>
    %add3A_27 = arith.addf %add3A_26, %exp3A : vector<2048x1xf32>
    %div3A = arith.constant 1.000000e+00 : f32
    %div3A_28 = vector.broadcast %div3A : f32 to vector<2048x1xf32>
    %div3A_29 = arith.divf %div3A_28, %add3A_27 : vector<2048x1xf32>
    %sub3A_30 = arith.constant 1.000000e+00 : f32
    %sub3A_31 = vector.broadcast %sub3A_30 : f32 to vector<2048x1xf32>
    %sub3A_32 = arith.subf %sub3A_31, %div3A_29 : vector<2048x1xf32>
    %eq3A_33 = vector.broadcast %broadcast_in_dim3A_10 : vector<2048x1xi32> to vector<2048x8xi32>
    %eq3A_34 = arith.cmpi eq, %iota3A, %eq3A_33 : vector<2048x8xi32>
    %convert_element_type3A = arith.extui %eq3A_34 : vector<2048x8xi1> to vector<2048x8xi32>
    %convert_element_type3A_35 = arith.sitofp %convert_element_type3A : vector<2048x8xi32> to vector<2048x8xf32>
    %eq3A_36 = vector.broadcast %broadcast_in_dim3A_25 : vector<2048x1xi32> to vector<2048x8xi32>
    %eq3A_37 = arith.cmpi eq, %iota3A, %eq3A_36 : vector<2048x8xi32>
    %convert_element_type3A_38 = arith.extui %eq3A_37 : vector<2048x8xi1> to vector<2048x8xi32>
    %convert_element_type3A_39 = arith.sitofp %convert_element_type3A_38 : vector<2048x8xi32> to vector<2048x8xf32>
    %concatenate3A = tpu.concatenate %convert_element_type3A_35, %convert_element_type3A_39 in 1 : vector<2048x8xf32>, vector<2048x8xf32> -> vector<2048x16xf32>
    %get3A_40 = arith.constant 0 : index
    %get3A_41 = arith.constant 0 : index
    %get3A_42 = vector.load %arg2[%get3A_40, %get3A_41] : memref<2048x2048xbf16, #tpu.memory_space<vmem>>, vector<2048x2048xbf16>
    %convert_element_type3A_43 = arith.truncf %concatenate3A : vector<2048x16xf32> to vector<2048x16xbf16>
    %dot_general3A_44 = arith.constant dense<0.000000e+00> : vector<2048x16xf32>
    %dot_general3A_45 = tpu.matmul %get3A_42, %convert_element_type3A_43, %dot_general3A_44 {dimension_numbers = #tpu.dot_dimension_numbers<[1], [0], [0], [1], [0, 0, 1, 1], [], []>, transpose_lhs_hint = false} : vector<2048x2048xbf16>, vector<2048x16xbf16>, vector<2048x16xf32> -> vector<2048x16xf32>
    %slice3A = vector.extract_strided_slice %dot_general3A_45 {offsets = [0, 0], sizes = [2048, 8], strides = [1, 1]} : vector<2048x16xf32> to vector<2048x8xf32>
    %slice3A_46 = vector.extract_strided_slice %dot_general3A_45 {offsets = [0, 8], sizes = [2048, 8], strides = [1, 1]} : vector<2048x16xf32> to vector<2048x8xf32>
    %slice3A_47 = vector.extract_strided_slice %slice3A {offsets = [2047, 0], sizes = [1, 8], strides = [1, 1]} : vector<2048x8xf32> to vector<1x8xf32>
    %slice3A_48 = vector.extract_strided_slice %slice3A_46 {offsets = [2047, 0], sizes = [1, 8], strides = [1, 1]} : vector<2048x8xf32> to vector<1x8xf32>
    %sub3A_49 = arith.constant 1.000000e+00 : f32
    %sub3A_50 = vector.broadcast %sub3A_49 : f32 to vector<2048x8xf32>
    %sub3A_51 = arith.subf %slice3A, %sub3A_50 : vector<2048x8xf32>
    %sub3A_52 = arith.constant 1.000000e+00 : f32
    %sub3A_53 = vector.broadcast %sub3A_52 : f32 to vector<2048x8xf32>
    %sub3A_54 = arith.subf %slice3A_46, %sub3A_53 : vector<2048x8xf32>
    %add3A_55 = vector.broadcast %slice3A_47 : vector<1x8xf32> to vector<2048x8xf32>
    %add3A_56 = arith.addf %sub3A_54, %add3A_55 : vector<2048x8xf32>
    %lt3A = arith.constant 6.400000e+02 : f32
    %lt3A_57 = vector.broadcast %lt3A : f32 to vector<2048x8xf32>
    %lt3A_58 = arith.cmpf olt, %sub3A_51, %lt3A_57 : vector<2048x8xf32>
    %convert_element_type3A_59 = arith.extui %lt3A_58 : vector<2048x8xi1> to vector<2048x8xi32>
    %convert_element_type3A_60 = arith.sitofp %convert_element_type3A_59 : vector<2048x8xi32> to vector<2048x8xf32>
    %mul3A = arith.mulf %convert_element_type3A_35, %convert_element_type3A_60 : vector<2048x8xf32>
    %lt3A_61 = arith.constant 6.400000e+02 : f32
    %lt3A_62 = vector.broadcast %lt3A_61 : f32 to vector<2048x8xf32>
    %lt3A_63 = arith.cmpf olt, %add3A_56, %lt3A_62 : vector<2048x8xf32>
    %convert_element_type3A_64 = arith.extui %lt3A_63 : vector<2048x8xi1> to vector<2048x8xi32>
    %convert_element_type3A_65 = arith.sitofp %convert_element_type3A_64 : vector<2048x8xi32> to vector<2048x8xf32>
    %mul3A_66 = arith.mulf %convert_element_type3A_39, %convert_element_type3A_65 : vector<2048x8xf32>
    %mul3A_67 = arith.mulf %sub3A_51, %mul3A : vector<2048x8xf32>
    %reduce_sum3A = arith.constant dense<0.000000e+00> : vector<2048xf32>
    %reduce_sum3A_68 = vector.multi_reduction <add>, %mul3A_67, %reduce_sum3A [1] : vector<2048x8xf32> to vector<2048xf32>
    %broadcast_in_dim3A_69 = vector.shape_cast %reduce_sum3A_68 : vector<2048xf32> to vector<2048x1xf32>
    %convert_element_type3A_70 = arith.fptosi %broadcast_in_dim3A_69 : vector<2048x1xf32> to vector<2048x1xi32>
    %mul3A_71 = arith.mulf %add3A_56, %mul3A_66 : vector<2048x8xf32>
    %reduce_sum3A_72 = arith.constant dense<0.000000e+00> : vector<2048xf32>
    %reduce_sum3A_73 = vector.multi_reduction <add>, %mul3A_71, %reduce_sum3A_72 [1] : vector<2048x8xf32> to vector<2048xf32>
    %broadcast_in_dim3A_74 = vector.shape_cast %reduce_sum3A_73 : vector<2048xf32> to vector<2048x1xf32>
    %convert_element_type3A_75 = arith.fptosi %broadcast_in_dim3A_74 : vector<2048x1xf32> to vector<2048x1xi32>
    %reduce_sum3A_76 = arith.constant dense<0.000000e+00> : vector<2048xf32>
    %reduce_sum3A_77 = vector.multi_reduction <add>, %mul3A, %reduce_sum3A_76 [1] : vector<2048x8xf32> to vector<2048xf32>
    %broadcast_in_dim3A_78 = vector.shape_cast %reduce_sum3A_77 : vector<2048xf32> to vector<2048x1xf32>
    %reduce_sum3A_79 = arith.constant dense<0.000000e+00> : vector<2048xf32>
    %reduce_sum3A_80 = vector.multi_reduction <add>, %mul3A_66, %reduce_sum3A_79 [1] : vector<2048x8xf32> to vector<2048xf32>
    %broadcast_in_dim3A_81 = vector.shape_cast %reduce_sum3A_80 : vector<2048xf32> to vector<2048x1xf32>
    %mul3A_82 = arith.mulf %div3A_29, %broadcast_in_dim3A_78 : vector<2048x1xf32>
    %mul3A_83 = arith.mulf %sub3A_32, %broadcast_in_dim3A_81 : vector<2048x1xf32>
    %mul3A_84 = arith.constant 640 : i32
    %mul3A_85 = vector.broadcast %mul3A_84 : i32 to vector<2048x1xi32>
    %mul3A_86 = arith.muli %broadcast_in_dim3A_10, %mul3A_85 : vector<2048x1xi32>
    %add3A_87 = arith.addi %mul3A_86, %convert_element_type3A_70 : vector<2048x1xi32>
    %mul3A_88 = arith.constant 640 : i32
    %mul3A_89 = vector.broadcast %mul3A_88 : i32 to vector<2048x1xi32>
    %mul3A_90 = arith.muli %broadcast_in_dim3A_25, %mul3A_89 : vector<2048x1xi32>
    %add3A_91 = arith.addi %mul3A_90, %convert_element_type3A_75 : vector<2048x1xi32>
    %gt3A = arith.constant 0.000000e+00 : f32
    %gt3A_92 = vector.broadcast %gt3A : f32 to vector<2048x1xf32>
    %gt3A_93 = arith.cmpf ogt, %broadcast_in_dim3A_78, %gt3A_92 : vector<2048x1xf32>
    %jit3A_94 = arith.constant 5120 : i32
    %broadcast_in_dim3A_95 = vector.broadcast %jit3A_94 : i32 to vector<2048x1xi32>
    %select_n3A_96 = arith.select %gt3A_93, %add3A_87, %broadcast_in_dim3A_95 : vector<2048x1xi1>, vector<2048x1xi32>
    %swap3A = arith.constant 0 : index
    %swap3A_97 = arith.constant 0 : index
    %swap3A_98 = vector.load %arg3[%swap3A, %swap3A_97] : memref<2048x1xi32, #tpu.memory_space<vmem>>, vector<2048x1xi32>
    tpu.vector_store %arg3[%swap3A, %swap3A_97], %select_n3A_96 {strides = array<i32>} : memref<2048x1xi32, #tpu.memory_space<vmem>>, vector<2048x1xi32>,
    %gt3A_99 = arith.constant 0.000000e+00 : f32
    %gt3A_100 = vector.broadcast %gt3A_99 : f32 to vector<2048x1xf32>
    %gt3A_101 = arith.cmpf ogt, %broadcast_in_dim3A_81, %gt3A_100 : vector<2048x1xf32>
    %jit3A_102 = arith.constant 5120 : i32
    %broadcast_in_dim3A_103 = vector.broadcast %jit3A_102 : i32 to vector<2048x1xi32>
    %select_n3A_104 = arith.select %gt3A_101, %add3A_91, %broadcast_in_dim3A_103 : vector<2048x1xi1>, vector<2048x1xi32>
    %swap3A_105 = arith.constant 0 : index
    %swap3A_106 = arith.constant 0 : index
    %swap3A_107 = vector.load %arg4[%swap3A_105, %swap3A_106] : memref<2048x1xi32, #tpu.memory_space<vmem>>, vector<2048x1xi32>
    tpu.vector_store %arg4[%swap3A_105, %swap3A_106], %select_n3A_104 {strides = array<i32>} : memref<2048x1xi32, #tpu.memory_space<vmem>>, vector<2048x1xi32>,
    %swap3A_108 = arith.constant 0 : index
    %swap3A_109 = arith.constant 0 : index
    %swap3A_110 = vector.load %arg5[%swap3A_108, %swap3A_109] : memref<2048x1xf32, #tpu.memory_space<vmem>>, vector<2048x1xf32>
    tpu.vector_store %arg5[%swap3A_108, %swap3A_109], %mul3A_82 {strides = array<i32>} : memref<2048x1xf32, #tpu.memory_space<vmem>>, vector<2048x1xf32>,
    %swap3A_111 = arith.constant 0 : index
    %swap3A_112 = arith.constant 0 : index
    %swap3A_113 = vector.load %arg6[%swap3A_111, %swap3A_112] : memref<2048x1xf32, #tpu.memory_space<vmem>>, vector<2048x1xf32>
    tpu.vector_store %arg6[%swap3A_111, %swap3A_112], %mul3A_83 {strides = array<i32>} : memref<2048x1xf32, #tpu.memory_space<vmem>>, vector<2048x1xf32>,
    %broadcast_in_dim3A_114 = vector.shape_cast %mul3A_82 : vector<2048x1xf32> to vector<2048x1xf32>
    %broadcast_in_dim3A_115 = vector.broadcast %broadcast_in_dim3A_114 : vector<2048x1xf32> to vector<2048x128xf32>
    %swap3A_116 = arith.constant 0 : index
    %swap3A_117 = arith.constant 0 : index
    %swap3A_118 = vector.load %arg10[%swap3A_116, %swap3A_117] : memref<2048x128xf32, #tpu.memory_space<vmem>>, vector<2048x128xf32>
    tpu.vector_store %arg10[%swap3A_116, %swap3A_117], %broadcast_in_dim3A_115 {strides = array<i32>} : memref<2048x128xf32, #tpu.memory_space<vmem>>, vector<2048x128xf32>,
    %broadcast_in_dim3A_119 = vector.shape_cast %mul3A_83 : vector<2048x1xf32> to vector<2048x1xf32>
    %broadcast_in_dim3A_120 = vector.broadcast %broadcast_in_dim3A_119 : vector<2048x1xf32> to vector<2048x128xf32>
    %swap3A_121 = arith.constant 0 : index
    %swap3A_122 = arith.constant 0 : index
    %swap3A_123 = vector.load %arg11[%swap3A_121, %swap3A_122] : memref<2048x128xf32, #tpu.memory_space<vmem>>, vector<2048x128xf32>
    tpu.vector_store %arg11[%swap3A_121, %swap3A_122], %broadcast_in_dim3A_120 {strides = array<i32>} : memref<2048x128xf32, #tpu.memory_space<vmem>>, vector<2048x128xf32>,
    %add3A_124 = arith.addf %slice3A_47, %slice3A_48 : vector<1x8xf32>
    %min3A = arith.constant 6.400000e+02 : f32
    %min3A_125 = vector.broadcast %min3A : f32 to vector<1x8xf32>
    %min3A_126 = arith.minimumf %add3A_124, %min3A_125 : vector<1x8xf32>
    %swap3A_127 = arith.constant 0 : index
    %swap3A_128 = arith.constant 0 : index
    %swap3A_129 = vector.load %arg7[%swap3A_127, %swap3A_128] : memref<1x8xf32, #tpu.memory_space<vmem>>, vector<1x8xf32>
    tpu.vector_store %arg7[%swap3A_127, %swap3A_128], %min3A_126 {strides = array<i32>} : memref<1x8xf32, #tpu.memory_space<vmem>>, vector<1x8xf32>,
    %mul3A_130 = vector.broadcast %mul3A_82 : vector<2048x1xf32> to vector<2048x8xf32>
    %mul3A_131 = arith.mulf %mul3A, %mul3A_130 : vector<2048x8xf32>
    %mul3A_132 = vector.broadcast %mul3A_83 : vector<2048x1xf32> to vector<2048x8xf32>
    %mul3A_133 = arith.mulf %mul3A_66, %mul3A_132 : vector<2048x8xf32>
    %add3A_134 = arith.addf %mul3A_131, %mul3A_133 : vector<2048x8xf32>
    %reduce_sum3A_135 = arith.constant dense<0.000000e+00> : vector<8xf32>
    %reduce_sum3A_136 = vector.multi_reduction <add>, %add3A_134, %reduce_sum3A_135 [0] : vector<2048x8xf32> to vector<8xf32>
    %broadcast_in_dim3A_137 = vector.shape_cast %reduce_sum3A_136 : vector<8xf32> to vector<1x8xf32>
    %swap3A_138 = arith.constant 0 : index
    %swap3A_139 = arith.constant 0 : index
    %swap3A_140 = vector.load %arg8[%swap3A_138, %swap3A_139] : memref<1x8xf32, #tpu.memory_space<vmem>>, vector<1x8xf32>
    tpu.vector_store %arg8[%swap3A_138, %swap3A_139], %broadcast_in_dim3A_137 {strides = array<i32>} : memref<1x8xf32, #tpu.memory_space<vmem>>, vector<1x8xf32>,
    %reduce_sum3A_141 = arith.constant dense<0.000000e+00> : vector<1024xf32>
    %reduce_sum3A_142 = vector.multi_reduction <add>, %get3A_1, %reduce_sum3A_141 [0] : vector<2048x1024xf32> to vector<1024xf32>
    %broadcast_in_dim3A_143 = vector.shape_cast %reduce_sum3A_142 : vector<1024xf32> to vector<1x1024xf32>
    %mul3A_144 = arith.constant 4.8828125E-4 : f32
    %mul3A_145 = vector.broadcast %mul3A_144 : f32 to vector<1x1024xf32>
    %mul3A_146 = arith.mulf %broadcast_in_dim3A_143, %mul3A_145 : vector<1x1024xf32>
    %swap3A_147 = arith.constant 0 : index
    %swap3A_148 = arith.constant 0 : index
    %swap3A_149 = vector.load %arg9[%swap3A_147, %swap3A_148] : memref<1x1024xf32, #tpu.memory_space<vmem>>, vector<1x1024xf32>
    tpu.vector_store %arg9[%swap3A_147, %swap3A_148], %mul3A_146 {strides = array<i32>} : memref<1x1024xf32, #tpu.memory_space<vmem>>, vector<1x1024xf32>,
    return
  }
}

module attributes {stable_mosaic.version = 14 : i64} {
  func.func @_ffn_body(%arg0: i32, %arg1: i32, %arg2: memref<640x1024xf32, #tpu.memory_space<vmem>>, %arg3: memref<1x1024x2048xf32, #tpu.memory_space<vmem>>, %arg4: memref<8x2048xf32, #tpu.memory_space<vmem>>, %arg5: memref<640x128xf32, #tpu.memory_space<vmem>>, %arg6: memref<1x8xf32, #tpu.memory_space<vmem>>, %arg7: memref<1x2048x1024xf32, #tpu.memory_space<vmem>>, %arg8: memref<1x1024xf32, #tpu.memory_space<vmem>>, %arg9: memref<1x8xf32, #tpu.memory_space<vmem>>, %arg10: memref<8x1024xf32, #tpu.memory_space<vmem>>, %arg11: memref<1x1xi32, #tpu.memory_space<smem>>, %arg12: memref<1x1xf32, #tpu.memory_space<smem>>, %arg13: memref<640x1024xbf16, #tpu.memory_space<vmem>>, %arg14: memref<640x1xf32, #tpu.memory_space<vmem>>, %arg15: memref<1x1024xf32, #tpu.memory_space<vmem>>) attributes {dimension_semantics = [#tpu.dimension_semantics<arbitrary>, #tpu.dimension_semantics<arbitrary>], iteration_bounds = array<i64: 8, 3>, scalar_prefetch = 0 : i64, scratch_operands = 3 : i64, tpu.core_type = #tpu.core_type<tc>, window_params = [{transform_indices = @transform_0, window_bounds = array<i64: 640, 1024>}, {transform_indices = @transform_1, window_bounds = array<i64: 1, 1024, 2048>}, {transform_indices = @transform_2, window_bounds = array<i64: 8, 2048>}, {transform_indices = @transform_3, window_bounds = array<i64: 640, 128>}, {pipeline_mode = #tpu.pipeline_mode<synchronous>, transform_indices = @transform_4, window_bounds = array<i64: 1, 8>}, {transform_indices = @transform_5, window_bounds = array<i64: 1, 2048, 1024>}, {pipeline_mode = #tpu.pipeline_mode<synchronous>, transform_indices = @transform_6, window_bounds = array<i64: 1, 1024>}, {pipeline_mode = #tpu.pipeline_mode<synchronous>, transform_indices = @transform_7, window_bounds = array<i64: 1, 8>}, {pipeline_mode = #tpu.pipeline_mode<synchronous>, transform_indices = @transform_8, window_bounds = array<i64: 8, 1024>}, {transform_indices = @transform_9, window_bounds = array<i64: 1, 1>}, {transform_indices = @transform_10, window_bounds = array<i64: 1, 1>}]} {
    %eq3A = arith.constant 0 : i32
    %eq3A_0 = arith.cmpi eq, %arg0, %eq3A : i32
    %eq3A_1 = arith.constant 0 : i32
    %eq3A_2 = arith.cmpi eq, %arg1, %eq3A_1 : i32
    %and3A = arith.andi %eq3A_0, %eq3A_2 : i1
    %convert_element_type3A = arith.extui %and3A : i1 to i32
    %cond3A = arith.constant 0 : i32
    %cond3A_3 = arith.cmpi ne, %convert_element_type3A, %cond3A : i32
    scf.if %cond3A_3 {
      %broadcast_in_dim3A = arith.constant 0.000000e+00 : f32
      %broadcast_in_dim3A_21 = vector.broadcast %broadcast_in_dim3A : f32 to vector<1x1024xf32>
      %swap3A = arith.constant 0 : index
      %swap3A_22 = arith.constant 0 : index
      %swap3A_23 = vector.load %arg15[%swap3A, %swap3A_22] : memref<1x1024xf32, #tpu.memory_space<vmem>>, vector<1x1024xf32>
      tpu.vector_store %arg15[%swap3A, %swap3A_22], %broadcast_in_dim3A_21 {strides = array<i32>} : memref<1x1024xf32, #tpu.memory_space<vmem>>, vector<1x1024xf32>,
    } else {
    }
    %iota3A = tpu.iota {dimensions = array<i32: 1>} : vector<1x8xi32>
    %eq3A_4 = arith.constant 0 : i32
    %eq3A_5 = arith.cmpi eq, %arg1, %eq3A_4 : i32
    %convert_element_type3A_6 = arith.extui %eq3A_5 : i1 to i32
    %cond3A_7 = arith.constant 0 : i32
    %cond3A_8 = arith.cmpi ne, %convert_element_type3A_6, %cond3A_7 : i32
    scf.if %cond3A_8 {
      %eq3A_21 = vector.broadcast %arg0 : i32 to vector<1x8xi32>
      %eq3A_22 = arith.cmpi eq, %iota3A, %eq3A_21 : vector<1x8xi32>
      %get3A = arith.constant 0 : index
      %get3A_23 = arith.constant 0 : index
      %get3A_24 = vector.load %arg6[%get3A, %get3A_23] : memref<1x8xf32, #tpu.memory_space<vmem>>, vector<1x8xf32>
      %jit3A = arith.constant 0.000000e+00 : f32
      %broadcast_in_dim3A = vector.broadcast %jit3A : f32 to vector<1x8xf32>
      %select_n3A = arith.select %eq3A_22, %get3A_24, %broadcast_in_dim3A : vector<1x8xi1>, vector<1x8xf32>
      %reduce_sum3A = vector.shape_cast %select_n3A : vector<1x8xf32> to vector<1x1x8xf32>
      %reduce_sum3A_25 = arith.constant dense<0.000000e+00> : vector<1xf32>
      %reduce_sum3A_26 = vector.multi_reduction <add>, %reduce_sum3A, %reduce_sum3A_25 [1, 2] : vector<1x1x8xf32> to vector<1xf32>
      %reduce_sum3A_27 = vector.shape_cast %reduce_sum3A_26 : vector<1xf32> to vector<1x1x1xf32>
      %reduce_sum3A_28 = vector.extract %reduce_sum3A_27[0, 0, 0] : f32 from vector<1x1x1xf32>
      %iota3A_29 = tpu.iota {dimensions = array<i32: 0>} : vector<640x1xi32>
      %convert_element_type3A_30 = arith.sitofp %iota3A_29 : vector<640x1xi32> to vector<640x1xf32>
      %lt3A = vector.broadcast %reduce_sum3A_28 : f32 to vector<640x1xf32>
      %lt3A_31 = arith.cmpf olt, %convert_element_type3A_30, %lt3A : vector<640x1xf32>
      %get3A_32 = arith.constant 0 : index
      %get3A_33 = arith.constant 0 : index
      %get3A_34 = vector.load %arg2[%get3A_32, %get3A_33] : memref<640x1024xf32, #tpu.memory_space<vmem>>, vector<640x1024xf32>
      %jit3A_35 = arith.constant 0.000000e+00 : f32
      %broadcast_in_dim3A_36 = vector.shape_cast %lt3A_31 : vector<640x1xi1> to vector<640x1xi1>
      %broadcast_in_dim3A_37 = vector.broadcast %broadcast_in_dim3A_36 : vector<640x1xi1> to vector<640x1024xi1>
      %broadcast_in_dim3A_38 = vector.broadcast %jit3A_35 : f32 to vector<640x1024xf32>
      %select_n3A_39 = arith.select %broadcast_in_dim3A_37, %get3A_34, %broadcast_in_dim3A_38 : vector<640x1024xi1>, vector<640x1024xf32>
      %convert_element_type3A_40 = arith.truncf %select_n3A_39 : vector<640x1024xf32> to vector<640x1024xbf16>
      %swap3A = arith.constant 0 : index
      %swap3A_41 = arith.constant 0 : index
      %swap3A_42 = vector.load %arg13[%swap3A, %swap3A_41] : memref<640x1024xbf16, #tpu.memory_space<vmem>>, vector<640x1024xbf16>
      tpu.vector_store %arg13[%swap3A, %swap3A_41], %convert_element_type3A_40 {strides = array<i32>} : memref<640x1024xbf16, #tpu.memory_space<vmem>>, vector<640x1024xbf16>,
      %get3A_43 = arith.constant 0 : index
      %get3A_44 = arith.constant 0 : index
      %get3A_45 = vector.load %arg5[%get3A_43, %get3A_44] : memref<640x128xf32, #tpu.memory_space<vmem>>, vector<640x1xf32>
      %jit3A_46 = arith.constant 0.000000e+00 : f32
      %broadcast_in_dim3A_47 = vector.broadcast %jit3A_46 : f32 to vector<640x1xf32>
      %select_n3A_48 = arith.select %lt3A_31, %get3A_45, %broadcast_in_dim3A_47 : vector<640x1xi1>, vector<640x1xf32>
      %swap3A_49 = arith.constant 0 : index
      %swap3A_50 = arith.constant 0 : index
      %swap3A_51 = vector.load %arg14[%swap3A_49, %swap3A_50] : memref<640x1xf32, #tpu.memory_space<vmem>>, vector<640x1xf32>
      tpu.vector_store %arg14[%swap3A_49, %swap3A_50], %select_n3A_48 {strides = array<i32>} : memref<640x1xf32, #tpu.memory_space<vmem>>, vector<640x1xf32>,
    } else {
    }
    %gt3A = arith.constant 0 : i32
    %gt3A_9 = arith.cmpi sgt, %arg1, %gt3A : i32
    %convert_element_type3A_10 = arith.extui %gt3A_9 : i1 to i32
    %cond3A_11 = arith.constant 0 : i32
    %cond3A_12 = arith.cmpi ne, %convert_element_type3A_10, %cond3A_11 : i32
    scf.if %cond3A_12 {
      %get3A = arith.constant 0 : index
      %get3A_21 = arith.constant 0 : index
      %get3A_22 = arith.constant 0 : index
      %get3A_23 = vector.load %arg3[%get3A, %get3A_21, %get3A_22] : memref<1x1024x2048xf32, #tpu.memory_space<vmem>>, vector<1x1024x2048xf32>
      %get3A_24 = vector.shape_cast %get3A_23 : vector<1x1024x2048xf32> to vector<1024x2048xf32>
      %convert_element_type3A_25 = arith.truncf %get3A_24 : vector<1024x2048xf32> to vector<1024x2048xbf16>
      %get3A_26 = arith.constant 0 : index
      %get3A_27 = arith.constant 0 : index
      %get3A_28 = vector.load %arg13[%get3A_26, %get3A_27] : memref<640x1024xbf16, #tpu.memory_space<vmem>>, vector<640x1024xbf16>
      %dot_general3A = arith.constant dense<0.000000e+00> : vector<640x2048xf32>
      %dot_general3A_29 = tpu.matmul %get3A_28, %convert_element_type3A_25, %dot_general3A {dimension_numbers = #tpu.dot_dimension_numbers<[1], [0], [0], [1], [0, 0, 1, 1], [], []>, transpose_lhs_hint = false} : vector<640x1024xbf16>, vector<1024x2048xbf16>, vector<640x2048xf32> -> vector<640x2048xf32>
      %iota3A_30 = tpu.iota {dimensions = array<i32: 0>} : vector<8x2048xi32>
      %eq3A_31 = vector.broadcast %arg0 : i32 to vector<8x2048xi32>
      %eq3A_32 = arith.cmpi eq, %iota3A_30, %eq3A_31 : vector<8x2048xi32>
      %get3A_33 = arith.constant 0 : index
      %get3A_34 = arith.constant 0 : index
      %get3A_35 = vector.load %arg4[%get3A_33, %get3A_34] : memref<8x2048xf32, #tpu.memory_space<vmem>>, vector<8x2048xf32>
      %jit3A = arith.constant 0.000000e+00 : f32
      %broadcast_in_dim3A = vector.broadcast %jit3A : f32 to vector<8x2048xf32>
      %select_n3A = arith.select %eq3A_32, %get3A_35, %broadcast_in_dim3A : vector<8x2048xi1>, vector<8x2048xf32>
      %reduce_sum3A = arith.constant dense<0.000000e+00> : vector<2048xf32>
      %reduce_sum3A_36 = vector.multi_reduction <add>, %select_n3A, %reduce_sum3A [0] : vector<8x2048xf32> to vector<2048xf32>
      %broadcast_in_dim3A_37 = vector.shape_cast %reduce_sum3A_36 : vector<2048xf32> to vector<1x2048xf32>
      %add3A = vector.broadcast %broadcast_in_dim3A_37 : vector<1x2048xf32> to vector<640x2048xf32>
      %add3A_38 = arith.addf %dot_general3A_29, %add3A : vector<640x2048xf32>
      %max3A = arith.constant 0.000000e+00 : f32
      %max3A_39 = vector.broadcast %max3A : f32 to vector<640x2048xf32>
      %max3A_40 = arith.maximumf %add3A_38, %max3A_39 : vector<640x2048xf32>
      %get3A_41 = arith.constant 0 : index
      %get3A_42 = arith.constant 0 : index
      %get3A_43 = vector.load %arg14[%get3A_41, %get3A_42] : memref<640x1xf32, #tpu.memory_space<vmem>>, vector<640x1xf32>
      %mul3A = vector.broadcast %get3A_43 : vector<640x1xf32> to vector<640x2048xf32>
      %mul3A_44 = arith.mulf %max3A_40, %mul3A : vector<640x2048xf32>
      %reduce_sum3A_45 = arith.constant dense<0.000000e+00> : vector<2048xf32>
      %reduce_sum3A_46 = vector.multi_reduction <add>, %mul3A_44, %reduce_sum3A_45 [0] : vector<640x2048xf32> to vector<2048xf32>
      %broadcast_in_dim3A_47 = vector.shape_cast %reduce_sum3A_46 : vector<2048xf32> to vector<1x2048xf32>
      %get3A_48 = arith.constant 0 : index
      %get3A_49 = arith.constant 0 : index
      %get3A_50 = vector.load %arg15[%get3A_48, %get3A_49] : memref<1x1024xf32, #tpu.memory_space<vmem>>, vector<1x1024xf32>
      %get3A_51 = arith.constant 0 : index
      %get3A_52 = arith.constant 0 : index
      %get3A_53 = arith.constant 0 : index
      %get3A_54 = vector.load %arg7[%get3A_51, %get3A_52, %get3A_53] : memref<1x2048x1024xf32, #tpu.memory_space<vmem>>, vector<1x2048x1024xf32>
      %get3A_55 = vector.shape_cast %get3A_54 : vector<1x2048x1024xf32> to vector<2048x1024xf32>
      %dot_general3A_56 = arith.constant dense<0.000000e+00> : vector<1x1024xf32>
      %dot_general3A_57 = tpu.matmul %broadcast_in_dim3A_47, %get3A_55, %dot_general3A_56 {dimension_numbers = #tpu.dot_dimension_numbers<[1], [0], [0], [1], [0, 0, 1, 1], [], []>, transpose_lhs_hint = false} : vector<1x2048xf32>, vector<2048x1024xf32>, vector<1x1024xf32> -> vector<1x1024xf32>
      %add3A_58 = arith.addf %get3A_50, %dot_general3A_57 : vector<1x1024xf32>
      %swap3A = arith.constant 0 : index
      %swap3A_59 = arith.constant 0 : index
      %swap3A_60 = vector.load %arg15[%swap3A, %swap3A_59] : memref<1x1024xf32, #tpu.memory_space<vmem>>, vector<1x1024xf32>
      tpu.vector_store %arg15[%swap3A, %swap3A_59], %add3A_58 {strides = array<i32>} : memref<1x1024xf32, #tpu.memory_space<vmem>>, vector<1x1024xf32>,
    } else {
    }
    %eq3A_13 = arith.constant 7 : i32
    %eq3A_14 = arith.cmpi eq, %arg0, %eq3A_13 : i32
    %eq3A_15 = arith.constant 2 : i32
    %eq3A_16 = arith.cmpi eq, %arg1, %eq3A_15 : i32
    %and3A_17 = arith.andi %eq3A_14, %eq3A_16 : i1
    %convert_element_type3A_18 = arith.extui %and3A_17 : i1 to i32
    %cond3A_19 = arith.constant 0 : i32
    %cond3A_20 = arith.cmpi ne, %convert_element_type3A_18, %cond3A_19 : i32
    scf.if %cond3A_20 {
      %get3A = arith.constant 0 : index
      %get3A_21 = arith.constant 0 : index
      %get3A_22 = vector.load %arg9[%get3A, %get3A_21] : memref<1x8xf32, #tpu.memory_space<vmem>>, vector<1x8xf32>
      %get3A_23 = arith.constant 0 : index
      %get3A_24 = arith.constant 0 : index
      %get3A_25 = vector.load %arg10[%get3A_23, %get3A_24] : memref<8x1024xf32, #tpu.memory_space<vmem>>, vector<8x1024xf32>
      %dot_general3A = arith.constant dense<0.000000e+00> : vector<1x1024xf32>
      %dot_general3A_26 = tpu.matmul %get3A_22, %get3A_25, %dot_general3A {dimension_numbers = #tpu.dot_dimension_numbers<[1], [0], [0], [1], [0, 0, 1, 1], [], []>, transpose_lhs_hint = false} : vector<1x8xf32>, vector<8x1024xf32>, vector<1x1024xf32> -> vector<1x1024xf32>
      %get3A_27 = arith.constant 0 : index
      %get3A_28 = arith.constant 0 : index
      %get3A_29 = vector.load %arg8[%get3A_27, %get3A_28] : memref<1x1024xf32, #tpu.memory_space<vmem>>, vector<1x1024xf32>
      %get3A_30 = arith.constant 0 : index
      %get3A_31 = arith.constant 0 : index
      %get3A_32 = vector.load %arg15[%get3A_30, %get3A_31] : memref<1x1024xf32, #tpu.memory_space<vmem>>, vector<1x1024xf32>
      %add3A = arith.addf %get3A_32, %dot_general3A_26 : vector<1x1024xf32>
      %mul3A = arith.constant 4.8828125E-4 : f32
      %mul3A_33 = vector.broadcast %mul3A : f32 to vector<1x1024xf32>
      %mul3A_34 = arith.mulf %add3A, %mul3A_33 : vector<1x1024xf32>
      %add3A_35 = arith.addf %get3A_29, %mul3A_34 : vector<1x1024xf32>
      %reduce_max3A = vector.shape_cast %add3A_35 : vector<1x1024xf32> to vector<1x1x1024xf32>
      %reduce_max3A_36 = arith.constant dense<0xFF800000> : vector<1xf32>
      %reduce_max3A_37 = vector.multi_reduction <maximumf>, %reduce_max3A, %reduce_max3A_36 [1, 2] : vector<1x1x1024xf32> to vector<1xf32>
      %reduce_max3A_38 = vector.shape_cast %reduce_max3A_37 : vector<1xf32> to vector<1x1x1xf32>
      %reduce_max3A_39 = vector.extract %reduce_max3A_38[0, 0, 0] : f32 from vector<1x1x1xf32>
      %sub3A = vector.broadcast %reduce_max3A_39 : f32 to vector<1x1024xf32>
      %sub3A_40 = arith.subf %add3A_35, %sub3A : vector<1x1024xf32>
      %exp3A = math.exp %sub3A_40 : vector<1x1024xf32>
      %reduce_sum3A = vector.shape_cast %exp3A : vector<1x1024xf32> to vector<1x1x1024xf32>
      %reduce_sum3A_41 = arith.constant dense<0.000000e+00> : vector<1xf32>
      %reduce_sum3A_42 = vector.multi_reduction <add>, %reduce_sum3A, %reduce_sum3A_41 [1, 2] : vector<1x1x1024xf32> to vector<1xf32>
      %reduce_sum3A_43 = vector.shape_cast %reduce_sum3A_42 : vector<1xf32> to vector<1x1x1xf32>
      %reduce_sum3A_44 = vector.extract %reduce_sum3A_43[0, 0, 0] : f32 from vector<1x1x1xf32>
      %log3A = math.log %reduce_sum3A_44 : f32
      %add3A_45 = arith.addf %log3A, %reduce_max3A_39 : f32
      %iota3A_46 = tpu.iota {dimensions = array<i32: 1>} : vector<1x1024xi32>
      %get3A_47 = arith.constant 0 : index
      %get3A_48 = arith.constant 0 : index
      %get3A_49 = memref.load %arg11[%get3A_47, %get3A_48] : memref<1x1xi32, #tpu.memory_space<smem>>
      %eq3A_50 = vector.broadcast %get3A_49 : i32 to vector<1x1024xi32>
      %eq3A_51 = arith.cmpi eq, %iota3A_46, %eq3A_50 : vector<1x1024xi32>
      %jit3A = arith.constant 0.000000e+00 : f32
      %broadcast_in_dim3A = vector.broadcast %jit3A : f32 to vector<1x1024xf32>
      %select_n3A = arith.select %eq3A_51, %add3A_35, %broadcast_in_dim3A : vector<1x1024xi1>, vector<1x1024xf32>
      %reduce_sum3A_52 = vector.shape_cast %select_n3A : vector<1x1024xf32> to vector<1x1x1024xf32>
      %reduce_sum3A_53 = arith.constant dense<0.000000e+00> : vector<1xf32>
      %reduce_sum3A_54 = vector.multi_reduction <add>, %reduce_sum3A_52, %reduce_sum3A_53 [1, 2] : vector<1x1x1024xf32> to vector<1xf32>
      %reduce_sum3A_55 = vector.shape_cast %reduce_sum3A_54 : vector<1xf32> to vector<1x1x1xf32>
      %reduce_sum3A_56 = vector.extract %reduce_sum3A_55[0, 0, 0] : f32 from vector<1x1x1xf32>
      %sub3A_57 = arith.subf %add3A_45, %reduce_sum3A_56 : f32
      %swap3A = arith.constant 0 : index
      %swap3A_58 = arith.constant 0 : index
      %swap3A_59 = memref.load %arg12[%swap3A, %swap3A_58] : memref<1x1xf32, #tpu.memory_space<smem>>
      memref.store %sub3A_57, %arg12[%swap3A, %swap3A_58] : memref<1x1xf32, #tpu.memory_space<smem>>
    } else {
    }
    return
  }
  func.func @transform_0(%arg0: i32, %arg1: i32) -> (i32, i32) {
    %c0_i32 = arith.constant 0 : i32
    %c0_i32_0 = arith.constant 0 : i32
    return %arg0, %c0_i32 : i32, i32
  }
  func.func @transform_1(%arg0: i32, %arg1: i32) -> (i32, i32, i32) {
    %sub3A = arith.constant 1 : i32
    %sub3A_0 = arith.subi %arg1, %sub3A : i32
    %max3A = arith.constant 0 : i32
    %max3A_1 = arith.maxsi %sub3A_0, %max3A : i32
    %c0_i32 = arith.constant 0 : i32
    %c0_i32_2 = arith.constant 0 : i32
    return %arg0, %c0_i32, %max3A_1 : i32, i32, i32
  }
  func.func @transform_2(%arg0: i32, %arg1: i32) -> (i32, i32) {
    %sub3A = arith.constant 1 : i32
    %sub3A_0 = arith.subi %arg1, %sub3A : i32
    %max3A = arith.constant 0 : i32
    %max3A_1 = arith.maxsi %sub3A_0, %max3A : i32
    %c0_i32 = arith.constant 0 : i32
    %c0_i32_2 = arith.constant 0 : i32
    return %c0_i32, %max3A_1 : i32, i32
  }
  func.func @transform_3(%arg0: i32, %arg1: i32) -> (i32, i32) {
    %c0_i32 = arith.constant 0 : i32
    %c0_i32_0 = arith.constant 0 : i32
    return %arg0, %c0_i32 : i32, i32
  }
  func.func @transform_4(%arg0: i32, %arg1: i32) -> (i32, i32) {
    %c0_i32 = arith.constant 0 : i32
    %c0_i32_0 = arith.constant 0 : i32
    %c0_i32_1 = arith.constant 0 : i32
    return %c0_i32, %c0_i32_0 : i32, i32
  }
  func.func @transform_5(%arg0: i32, %arg1: i32) -> (i32, i32, i32) {
    %sub3A = arith.constant 1 : i32
    %sub3A_0 = arith.subi %arg1, %sub3A : i32
    %max3A = arith.constant 0 : i32
    %max3A_1 = arith.maxsi %sub3A_0, %max3A : i32
    %c0_i32 = arith.constant 0 : i32
    %c0_i32_2 = arith.constant 0 : i32
    return %arg0, %max3A_1, %c0_i32 : i32, i32, i32
  }
  func.func @transform_6(%arg0: i32, %arg1: i32) -> (i32, i32) {
    %c0_i32 = arith.constant 0 : i32
    %c0_i32_0 = arith.constant 0 : i32
    %c0_i32_1 = arith.constant 0 : i32
    return %c0_i32, %c0_i32_0 : i32, i32
  }
  func.func @transform_7(%arg0: i32, %arg1: i32) -> (i32, i32) {
    %c0_i32 = arith.constant 0 : i32
    %c0_i32_0 = arith.constant 0 : i32
    %c0_i32_1 = arith.constant 0 : i32
    return %c0_i32, %c0_i32_0 : i32, i32
  }
  func.func @transform_8(%arg0: i32, %arg1: i32) -> (i32, i32) {
    %c0_i32 = arith.constant 0 : i32
    %c0_i32_0 = arith.constant 0 : i32
    %c0_i32_1 = arith.constant 0 : i32
    return %c0_i32, %c0_i32_0 : i32, i32
  }
  func.func @transform_9(%arg0: i32, %arg1: i32) -> (i32, i32) {
    %c0_i32 = arith.constant 0 : i32
    %c0_i32_0 = arith.constant 0 : i32
    %c0_i32_1 = arith.constant 0 : i32
    return %c0_i32, %c0_i32_0 : i32, i32
  }
  func.func @transform_10(%arg0: i32, %arg1: i32) -> (i32, i32) {
    %c0_i32 = arith.constant 0 : i32
    %c0_i32_0 = arith.constant 0 : i32
    %c0_i32_1 = arith.constant 0 : i32
    return %c0_i32, %c0_i32_0 : i32, i32
  }
}

</mosaic_0001>

<sc_bundles>
// kernel: kernel.5.cloned.1.call-start
scs
__scs_entry_jumppad:
0x0: {  	(pc) =	sbr.rel $0x88, $3  }
0x1: {  	(tag) =	ssettag $0x0;
	lr =	simm.s32 $0x1  }
0x2: {  	[smem:$0x3F9A] =	sst lr;
	_ =	strace $0xD0000000  }
0x3: {  	_ = 	snop  }
0x4: {  	_ = 	snop  }
0x5: {  	_ = 	snop  }
0x6: {  	_ = 	snop  }
0x7: {  	_ = 	snop  }
__scs_overlays_trampoline_lowered:
0x8: {  	[smem:$0x3FA9] =	sst s0  }
0x9: {  	[smem:$0x3FAA] =	sst s1  }
0xa: {  	[smem:$0x3FAB] =	sst s2  }
0xb: {  	[smem:$0x3FAC] =	sst s3  }
0xc: {  	[smem:$0x3FAD] =	sst s4  }
0xd: {  	[smem:$0x3FAE] =	sst s5  }
0xe: {  	[smem:$0x3FAF] =	sst s6  }
0xf: {  	[smem:$0x3FB0] =	sst s7  }
0x10: {  	[smem:$0x3FB1] =	sst s8  }
0x11: {  	[smem:$0x3FB2] =	sst s9;
	s0 =	simm.s32 @!p0 $0x0  }
0x12: {  	s1 =	sld [smem:$0x3F98];
	s0 =	simm.s32 @p0 $0x1  }
0x13: {  	[smem:$0x3FB3] =	sst s0;
	s0 =	simm.s32 @!p1 $0x0  }
0x14: {  	s2 =	sld [smem:$0x3F97];
	s0 =	simm.s32 @p1 $0x1  }
0x15: {  	[smem:$0x3FB4] =	sst s0;
	s0 =	simm.s32 @!p2 $0x0  }
0x16: {  	s3 =	sld [smem:$0x3FDB];
	s0 =	simm.s32 @p2 $0x1  }
0x17: {  	s4 =	simm.s32 $0x1BF5;
	[smem:$0x3FB6] =	sst s0  }
0x18: {  	s0 =	sld [smem:$0x3F99];
	_ =	swait.ge [sflag:s4], $0x0  }
0x19: {  	s7 =	sld [smem:$0x3F9A]  }
0x1a: {  	s8 =	sadd.s32 $0xFFFFE003, lr  }
0x1b: {  	s9 =	sadd.s32 $0xFFFFFEF7, lr;
	s5 =	simm.s32 $0xFFFFFFFF;
	p2 =	slt.u32 s8, $0xFFFFF086  }
0x1c: {  	p1 =	slt.u32 s9, $0xF7A;
	s5 =	simm.s32 @!p2 $0x0  }
0x1d: {  	s5 =	simm.s32 @p1 $0x1;
	p0 =	seq.s32 s7, s2  }
0x1e: {  	s7 =	smul.u32 @!p0 $0xF7A, s2;
	p2 =	seq.s32 @!p0 s5, $0x0  }
0x1f: {  	s9 =	smul.u32 $0xF7A, s1;
	s8 =	simm.s32 @!p0 $0x1BF5;
	p2 =	por !p2, p0  }
0x20: {  	[sflag:s8] =	ssyncset.s32 @!p0 $0xFFFFF086;
	s6 =	sadd.s32 @!p0 s3, s7;
	s7 =	simm.s32 @!p0 $0x108  }
0x21: {  	s3 =	sadd.s32 s3, s9;
	s6 =	sadd.s32 @!p0 $0x88, s6;
	s7 =	simm.s32 @p2 $0x1082  }
0x22: {  	[simem:s7], [sflag:s8] =	dma.local @!p0 [hbm:s6], $0xF7A  }
0x23: {  	s9 =	sor.u32 $0xD0000000, s2;
	s6 =	simm.s32 $0x108;
	_ =	swait.ge @!p0 [sflag:s8], $0x0  }
0x24: {  	s3 =	sadd.s32 $0x88, s3;
	s6 =	simm.s32 @!p1 $0x1082;
	[sflag:s4] =	ssyncset.s32 $0xFFFFF086  }
0x25: {  	[simem:s6], [sflag:s4] =	dma.local [hbm:s3], $0xF7A  }
0x26: {  	[smem:$0x3F9A] =	sst s1;
	(tag) =	ssettag s2;
	_ =	strace s9  }
0x27: {  	s1 =	sld [smem:$0x3FAA]  }
0x28: {  	s2 =	sld [smem:$0x3FAB]  }
0x29: {  	s4 =	sld [smem:$0x3FAD]  }
0x2a: {  	p0 =	seq.s32 s5, $0x0;
	s5 =	sld [smem:$0x3FAE]  }
0x2b: {  	s6 =	sld [smem:$0x3FAF]  }
0x2c: {  	s7 =	sld [smem:$0x3FB0]  }
0x2d: {  	s3 =	simm.s32 $0x108;
	s8 =	sld [smem:$0x3FB1]  }
0x2e: {  	s3 =	simm.s32 @!p0 $0x1082;
	s9 =	sld [smem:$0x3FB2]  }
0x2f: {  	lr =	sadd.s32 s0, s3;
	s0 =	sld [smem:$0x3FA9]  }
0x30: {  	s3 =	sld [smem:$0x3FAC]  }
0x31: {  	[smem:$0x3FB5] =	sst s10  }
0x32: {  	s10 =	sld [smem:$0x3FB3];
	_ =	sdelay $0x3  }
0x33: {  	p0 =	seq.s32 s10, $0x1;
	s10 =	sld [smem:$0x3FB5];
	_ =	sdelay $0x3  }
0x34: {  	[smem:$0x3FB5] =	sst s10  }
0x35: {  	s10 =	sld [smem:$0x3FB4];
	_ =	sdelay $0x3  }
0x36: {  	p1 =	seq.s32 s10, $0x1;
	s10 =	sld [smem:$0x3FB5];
	_ =	sdelay $0x3  }
0x37: {  	[smem:$0x3FB5] =	sst s10  }
0x38: {  	s10 =	sld [smem:$0x3FB6]  }
0x39: {  	_ = 	snop;
	(pc) =	sbr.ind lr, $3  }
0x3a: {  	_ = 	snop  }
0x3b: {  	_ = 	snop  }
0x3c: {  	p2 =	seq.s32 s10, $0x1;
	s10 =	sld [smem:$0x3FB5]  }
0x3d: {  	_ =	shalt  }
0x3e: {  	_ =	shalt  }
0x3f: {  	_ =	shalt  }
0x40: {  	_ =	shalt  }
0x41: {  	_ =	shalt  }
0x42: {  	_ =	shalt  }
0x43: {  	_ =	shalt  }
0x44: {  	_ =	shalt  }
0x45: {  	_ =	shalt  }
0x46: {  	_ =	shalt  }
0x47: {  	_ =	shalt  }
0x48: {  	_ =	shalt  }
0x49: {  	_ =	shalt  }
0x4a: {  	_ =	shalt  }
0x4b: {  	_ =	shalt  }
0x4c: {  	_ =	shalt  }
0x4d: {  	_ =	shalt  }
0x4e: {  	_ =	shalt  }
0x4f: {  	_ =	shalt  }
0x50: {  	_ =	shalt  }
0x51: {  	_ =	shalt  }
0x52: {  	_ =	shalt  }
0x53: {  	_ =	shalt  }
0x54: {  	_ =	shalt  }
0x55: {  	_ =	shalt  }
0x56: {  	_ =	shalt  }
0x57: {  	_ =	shalt  }
0x58: {  	_ =	shalt  }
0x59: {  	_ =	shalt  }
0x5a: {  	_ =	shalt  }
0x5b: {  	_ =	shalt  }
0x5c: {  	_ =	shalt  }
0x5d: {  	_ =	shalt  }
0x5e: {  	_ =	shalt  }
0x5f: {  	_ =	shalt  }
0x60: {  	_ =	shalt  }
0x61: {  	_ =	shalt  }
0x62: {  	_ =	shalt  }
0x63: {  	_ =	shalt  }
0x64: {  	_ =	shalt  }
0x65: {  	_ =	shalt  }
0x66: {  	_ =	shalt  }
0x67: {  	_ =	shalt  }
0x68: {  	_ =	shalt  }
0x69: {  	_ =	shalt  }
0x6a: {  	_ =	shalt  }
0x6b: {  	_ =	shalt  }
0x6c: {  	_ =	shalt  }
0x6d: {  	_ =	shalt  }
0x6e: {  	_ =	shalt  }
0x6f: {  	_ =	shalt  }
0x70: {  	_ =	shalt  }
0x71: {  	_ =	shalt  }
0x72: {  	_ =	shalt  }
0x73: {  	_ =	shalt  }
0x74: {  	_ =	shalt  }
0x75: {  	_ =	shalt  }
0x76: {  	_ =	shalt  }
0x77: {  	_ =	shalt  }
0x78: {  	_ =	shalt  }
0x79: {  	_ =	shalt  }
0x7a: {  	_ =	shalt  }
0x7b: {  	_ =	shalt  }
0x7c: {  	_ =	shalt  }
0x7d: {  	_ =	shalt  }
0x7e: {  	_ =	shalt  }
0x7f: {  	_ =	shalt  }
0x80: {  	_ =	shalt  }
0x81: {  	_ =	shalt  }
0x82: {  	_ =	shalt  }
0x83: {  	_ =	shalt  }
0x84: {  	_ =	shalt  }
0x85: {  	_ =	shalt  }
0x86: {  	_ =	shalt  }
0x87: {  	_ =	shalt  }
.Lfunc_end0:
.L_simem_size_0:
called_computation_lowered:
.L_overlay_start_0:
0x88: {  	s2 =	sld [smem:$0x3FD9]  }
0x89: {  	s3 =	sld [smem:$0x3FFE];
	_ =	sdelay $0x1  }
0x8a: {  	s1 =	srdreg.scid  }
0x8b: {  	s0 =	sand.u32 $0x1, s1  }
0x8c: {  	s17 =	sshll.u32 s0, $0xA;
	s2 =	sadd.s32 s3, s2  }
0x8d: {  	s2 =	sadd.s32 s2, s17  }
0x8e: {  	[smem:$0x3FC1] =	sst s2  }
0x8f: {  	_ = 	snop  }
0x90: {  	s2 =	sld [smem:$0x3FC9];
	(tm) =	ssettm $0x1  }
0x91: {  	s18 =	sld [smem:$0x3FFB];
	_ =	sdelay $0x3  }
0x92: {  	_ =	strace s18  }
0x93: {  	s3 =	sld [smem:$0x3FFC];
	_ =	sdelay $0x3  }
0x94: {  	_ =	strace s3  }
0x95: {  	s3 =	sld [smem:$0x3FFD];
	_ =	sdelay $0x3  }
0x96: {  	_ =	strace s3  }
0x97: {  	_ =	strace $0x8FFFFFFF  }
0x98: {  	s19 =	sld [smem:$0x3FDB];
	_ =	sdelay $0x1  }
0x99: {  	s4 =	simm.s32 $_scs_section_size  }
0x9a: {  	s5 =	simm.s32 $_size__tile_overlayer_lowered;
	s6 =	simm.s32 $_tile_overlayer_lowered  }
0x9b: {  	s22 =	simm.s32 $0x1BFF;
	s21 =	sshll.u32 s6, $0x1;
	s3 =	sadd.s32 s4, s19  }
0x9c: {  	s7 =	simm.s32 $0x0;
	s20 =	sshll.u32 s5, $0x1;
	s5 =	sadd.s32 s21, s3  }
0x9d: {  	[timem:s7], [sflag:s22] =	dma.local [hbm:s5], s20  }
0x9e: {  	_ =	swait.ge [sflag:s22], s20  }
0x9f: {  	s4 =	ssub.s32 $0x0, s20;
	[sflag:s22] =	ssyncset.done $0x0  }
0xa0: {  	[sflag:s22] =	ssyncadd.s32 s4;
	_ =	sdelay $0x1  }
0xa1: {  	s23 =	simm.s32 $0x1B8B  }
0xa2: {  	_ =	swait.ge [sflag:s23], $0x1  }
0xa3: {  	[sflag:s23] =	ssyncset.done $0x0  }
0xa4: {  	s25 =	simm.s32 $0x1B8E;
	s24 =	sld [smem:$0x3FFE];
	[sflag:s23] =	ssyncadd.s32 $0xFFFFFFFF  }
0xa5: {  	s26 =	simm.s32 $execute0_lowered;
	[smem:$0x3FD2] =	sst s25  }
0xa6: {  	s5 =	sshll.u32 s26, $0x1;
	_ =	strace $0x80000046;
	[dreg:$0x1] =	wrdreg $0xFFFFFFFF  }
0xa7: {  	s28 =	simm.s32 $_size_execute0_lowered;
	s3 =	sadd.s32 s3, s5;
	[dreg:$0x0] =	wrdreg $0x0  }
0xa8: {  	s5 =	sshll.u32 s28, $0x1;
	[dreg:$0x2] =	wrdreg s3  }
0xa9: {  	[dreg:$0x3] =	wrdreg s5  }
0xaa: {  	[dreg:$0x4] =	wrdreg $0xC0  }
0xab: {  	_ =	task [dreg:s7], $0x5FFFF  }
0xac: {  	[dreg:$0x1] =	wrdreg $0xFFFFFFFF  }
0xad: {  	[dreg:$0x0] =	wrdreg $0x60  }
0xae: {  	[dreg:$0x2] =	wrdreg s24  }
0xaf: {  	[dreg:$0x3] =	wrdreg s2  }
0xb0: {  	[dreg:$0x4] =	wrdreg $0x9  }
0xb1: {  	_ =	task.clear_ibuf [dreg:s7], $0x5FFFF;
	_ =	strace $0x90000046  }
0xb2: {  	s29 =	simm.s32 $0x9;
	_ =	strace $0x80000048  }
0xb3: {  	_ =	swait.ge [sflag:s29], $0x1  }
0xb4: {  	[sflag:s29] =	ssyncadd.s32 $0xFFFFFFFF  }
0xb5: {  	_ =	strace $0x90000048  }
0xb6: {  	_ =	sfence  }
0xb7: {  	s30 =	sld [smem:$0x0];
	_ =	sdelay $0x2  }
0xb8: {  	s31 =	sshll.u32 s1, $0xD;
	s1 =	sshrl.u32 s1, $0x2  }
0xb9: {  	s3 =	sand.u32 $0x4000, s31;
	s1 =	sadd.s32 s1, s30  }
0xba: {  	s0 =	sor.u32 s3, s0;
	s1 =	sshll.u32 s1, $0x11  }
0xbb: {  	s0 =	sor.u32 s1, s0  }
0xbc: {  	s0 =	sadd.s32 $0x8F2B, s0  }
0xbd: {  	[sflag:s0] =	ssyncadd.remote.s32 $0x1  }
0xbe: {  	_ =	sfence.sel $0xFFFF  }
0xbf: {  	[dreg:$0x0] =	wrdreg $0xFFFFFFFF;
	(pc) =	sbr.abs _section_cstart, $3  }
0xc0: {  	[dreg:$0x1] =	wrdreg $0xFFFFFFFF  }
0xc1: {  	_ =	task.clear_ibuf [dreg:s7], $0x2FFFF;
	_ =	strace $0x9FFFFFFF  }
0xc2: {  	(tm) =	ssettm $0x7FFFFFFF  }
0xc3: {  	_ =	shalt  }
tec
execute0_lowered:
.L_overlay_start_1:
0x0: {  	(tag) =	ssettag $0x1  }
0x1: {  	s0 =	rddreg [dreg:$0x0]  }
0x2: {  	s1 =	rddreg [dreg:$0x1]  }
0x3: {  	s2 =	srdreg.scid;
	s3 =	stileid.u32;
	s10 =	simm.s32 $0x5  }
0x4: {  	s11 =	simm.s32 $0x1900;
	s12 =	simm.s32 $0x2100;
	s13 =	simm.s32 $0x2900  }
0x5: {  	s14 =	simm.s32 $0x3100;
	s15 =	simm.s32 $0x3900;
	s16 =	simm.s32 $0x4100  }
0x6: {  	s17 =	simm.s32 $0x4900;
	s18 =	simm.s32 $0x5100;
	s19 =	simm.s32 $0x5900  }
0x7: {  	s20 =	simm.s32 $0x6100;
	s28 =	simm.s32 $0x9900;
	s30 =	simm.s32 $0xB100  }
0x8: {  	s31 =	simm.s32 $0xB900;
	s4 =	sand.u32 $0x1, s2;
	s2 =	simm.s32 $0x0  }
0x9: {  	s3 =	sshll.u32 s3, $0x7;
	s29 =	sadd.s32 $0xB5800, s0;
	s5 =	sshll.u32 s4, $0x6  }
0xa: {  	[smem:$0x7FF] =	sst s2;
	s24 =	ssub.s32 $0x2, s4;
	s3 =	sor.u32 s5, s3  }
0xb: {  	_ =	strace $0x80000047;
	s7 =	sshrl.u32 s24, $0x1;
	[dreg:$0x8] =	wrdreg s29  }
0xc: {  	s5 =	sshrl.u32 s3, $0x3;
	s6 =	sshll.u32 s3, $0x7;
	s3 =	sshll.u32 s3, $0x4  }
0xd: {  	s8 =	ssub.s32 s24, s7;
	s7 =	sadd.s32 $0x11B00, s0;
	s24 =	simm.s32 $0x100  }
0xe: {  	s5 =	sadd.s32 s5, s0;
	s1 =	sadd.s32 s1, s6;
	s21 =	sadd.s32 s3, s0  }
0xf: {  	s3 =	sadd.s32 $0x11800, s0;
	[dreg:$0x3] =	wrdreg s1;
	s22 =	sadd.s32 $0x11400, s5  }
0x10: {  	s6 =	sadd.s32 $0x11A00, s0;
	s23 =	sadd.s32 $0x11600, s5;
	[dreg:$0x4] =	wrdreg s22  }
0x11: {  	s8 =	smax.u32 s8, $0x1;
	s25 =	sadd.s32 $0xE00, s21;
	[dreg:$0x5] =	wrdreg s23  }
0x12: {  	v2 =	vlaneseq.u32;
	s26 =	sadd.s32 $0x8E00, s21;
	s5 =	sadd.s32 $0x11900, s0;
	[dreg:$0x6] =	wrdreg s25  }
0x13: {  	vm0 =	vmmov $0xffff;
	v1 =	vshrl.u32 v2, $0x3;
	s21 =	simm.s32 $0x6900;
	[dreg:$0x7] =	wrdreg s26;
	s22 =	simm.s32 $0x7100  }
0x14: {  	v0 =	vand.u32 $0x7, v2;
	v2 =	vor.u32 $0x8, v2;
	v1 =	vmul.u32 $0x8, v1;
	s23 =	simm.s32 $0x7900;
	s25 =	simm.s32 $0x8900;
	s26 =	simm.s32 $0x9100  }
.LBB2_1:
0x15: {  	s29 =	rddreg [dreg:$0x3]  }
0x16: {  	[tilespmem:s24], [sflag:$0x5] =	stream.linear.gather [hbm4b:s29+s2], $0x10000, $0x38;
	[tilespmem:$0x14100] =	vst v63  }
0x17: {  	_ =	swait.ge [sflag:s10], $0x10000  }
0x18: {  	[sflag:s10] =	ssyncset.done $0x0  }
0x19: {  	s0 =	rddreg [dreg:$0x4];
	[sflag:s10] =	ssyncadd.s32 $0xFFFF0000  }
0x1a: {  	[tilespmem:s2], [sflag:$0x5] =	stream.linear.gather [hbm4b:s0+s2], $0x40, $0x38;
	[tilespmem:$0x14100] =	vst v63  }
0x1b: {  	_ =	swait.ge [sflag:s10], $0x40  }
0x1c: {  	[sflag:s10] =	ssyncset.done $0x0  }
0x1d: {  	s0 =	simm.s32 $0x80;
	s1 =	rddreg [dreg:$0x5];
	[sflag:s10] =	ssyncadd.s32 $0xFFFFFFC0  }
0x1e: {  	[tilespmem:s0], [sflag:$0x5] =	stream.linear.gather [hbm4b:s1+s2], $0x40, $0x38;
	[tilespmem:$0x14100] =	vst v63  }
0x1f: {  	_ =	swait.ge [sflag:s10], $0x40  }
0x20: {  	[sflag:s10] =	ssyncset.done $0x0  }
0x21: {  	s9 =	simm.s32 $0x10100;
	s4 =	rddreg [dreg:$0x6];
	[sflag:s10] =	ssyncadd.s32 $0xFFFFFFC0  }
0x22: {  	[tilespmem:s9], [sflag:$0x5] =	stream.linear.gather [hbm4b:s4+s2], $0x2000, $0x38;
	[tilespmem:$0x14100] =	vst v63  }
0x23: {  	_ =	swait.ge [sflag:s10], $0x2000  }
0x24: {  	[sflag:s10] =	ssyncset.done $0x0  }
0x25: {  	s1 =	simm.s32 $0x12100;
	s0 =	rddreg [dreg:$0x7];
	[sflag:s10] =	ssyncadd.s32 $0xFFFFE000  }
0x26: {  	[tilespmem:s1], [sflag:$0x5] =	stream.linear.gather [hbm4b:s0+s2], $0x2000, $0x38;
	[tilespmem:$0x14100] =	vst v63  }
0x27: {  	_ =	swait.ge [sflag:s10], $0x2000  }
0x28: {  	[sflag:s10] =	ssyncset.done $0x0  }
0x29: {  	[sflag:s10] =	ssyncadd.s32 $0xFFFFE000  }
0x2a: {  	v3 =	vld [tilespmem:$0x0];
	_ =	sdelay $0x4  }
0x2b: {  	v4 =	vshll.u32 v3, $0x3  }
0x2c: {  	v3 =	vand.u32 $0x7, v3;
	v4 =	vand.u32 $0xFFFFFFC0, v4  }
0x2d: {  	v3 =	vor.u32 v3, v4  }
0x2e: {  	v4 =	vperm.xlane v3, v0;
	_ =	sdelay $0x1  }
0x2f: {  	v4 =	vadd.s32 v1, v4;
	_ =	sdelay $0x4  }
0x30: {  	[hbm4b:s3+s2] =	stream.indirect_vreg.scatter [tilespmem:s24], [sflag:$0x1], $0x80, v4, vm0, $0xb8;
	[tilespmem:$0x14100] =	vst v63  }
0x31: {  	s29 =	simm.s32 $0x900;
	v3 =	vperm.xlane v3, v2  }
0x32: {  	[hbm4b:s5+s2] =	stream.indirect_vreg.scatter [tilespmem:s29], [sflag:$0x1], $0x80, v4, vm0, $0xb8;
	[tilespmem:$0x14100] =	vst v63  }
0x33: {  	s1 =	simm.s32 $0x1100;
	v3 =	vadd.s32 v1, v3  }
0x34: {  	[hbm4b:s6+s2] =	stream.indirect_vreg.scatter [tilespmem:s1], [sflag:$0x1], $0x80, v4, vm0, $0xb8;
	[tilespmem:$0x14100] =	vst v63  }
0x35: {  	_ = 	snop  }
0x36: {  	[hbm4b:s7+s2] =	stream.indirect_vreg.scatter [tilespmem:s11], [sflag:$0x1], $0x80, v4, vm0, $0xb8;
	[tilespmem:$0x14100] =	vst v63  }
0x37: {  	_ = 	snop  }
0x38: {  	[hbm4b:s3+s2] =	stream.indirect_vreg.scatter [tilespmem:s12], [sflag:$0x1], $0x80, v3, vm0, $0xb8;
	[tilespmem:$0x14100] =	vst v63  }
0x39: {  	_ = 	snop  }
0x3a: {  	[hbm4b:s5+s2] =	stream.indirect_vreg.scatter [tilespmem:s13], [sflag:$0x1], $0x80, v3, vm0, $0xb8;
	[tilespmem:$0x14100] =	vst v63  }
0x3b: {  	_ = 	snop  }
0x3c: {  	[hbm4b:s6+s2] =	stream.indirect_vreg.scatter [tilespmem:s14], [sflag:$0x1], $0x80, v3, vm0, $0xb8;
	[tilespmem:$0x14100] =	vst v63  }
0x3d: {  	_ = 	snop  }
0x3e: {  	[hbm4b:s7+s2] =	stream.indirect_vreg.scatter [tilespmem:s15], [sflag:$0x1], $0x80, v3, vm0, $0xb8;
	[tilespmem:$0x14100] =	vst v63  }
0x3f: {  	v3 =	vld [tilespmem:$0x10];
	_ =	sdelay $0x4  }
0x40: {  	v57 =	vshll.u32 v3, $0x3  }
0x41: {  	v3 =	vand.u32 $0x7, v3;
	v4 =	vand.u32 $0xFFFFFFC0, v57  }
0x42: {  	v3 =	vor.u32 v3, v4  }
0x43: {  	v4 =	vperm.xlane v3, v0;
	_ =	sdelay $0x1  }
0x44: {  	v4 =	vadd.s32 v1, v4;
	_ =	sdelay $0x4  }
0x45: {  	[hbm4b:s3+s2] =	stream.indirect_vreg.scatter [tilespmem:s16], [sflag:$0x1], $0x80, v4, vm0, $0xb8;
	[tilespmem:$0x14100] =	vst v63  }
0x46: {  	v3 =	vperm.xlane v3, v2  }
0x47: {  	[hbm4b:s5+s2] =	stream.indirect_vreg.scatter [tilespmem:s17], [sflag:$0x1], $0x80, v4, vm0, $0xb8;
	[tilespmem:$0x14100] =	vst v63  }
0x48: {  	v3 =	vadd.s32 v1, v3  }
0x49: {  	[hbm4b:s6+s2] =	stream.indirect_vreg.scatter [tilespmem:s18], [sflag:$0x1], $0x80, v4, vm0, $0xb8;
	[tilespmem:$0x14100] =	vst v63  }
0x4a: {  	_ = 	snop  }
0x4b: {  	[hbm4b:s7+s2] =	stream.indirect_vreg.scatter [tilespmem:s19], [sflag:$0x1], $0x80, v4, vm0, $0xb8;
	[tilespmem:$0x14100] =	vst v63  }
0x4c: {  	_ = 	snop  }
0x4d: {  	[hbm4b:s3+s2] =	stream.indirect_vreg.scatter [tilespmem:s20], [sflag:$0x1], $0x80, v3, vm0, $0xb8;
	[tilespmem:$0x14100] =	vst v63  }
0x4e: {  	_ = 	snop  }
0x4f: {  	[hbm4b:s5+s2] =	stream.indirect_vreg.scatter [tilespmem:s21], [sflag:$0x1], $0x80, v3, vm0, $0xb8;
	[tilespmem:$0x14100] =	vst v63  }
0x50: {  	_ = 	snop  }
0x51: {  	[hbm4b:s6+s2] =	stream.indirect_vreg.scatter [tilespmem:s22], [sflag:$0x1], $0x80, v3, vm0, $0xb8;
	[tilespmem:$0x14100] =	vst v63  }
0x52: {  	_ = 	snop  }
0x53: {  	[hbm4b:s7+s2] =	stream.indirect_vreg.scatter [tilespmem:s23], [sflag:$0x1], $0x80, v3, vm0, $0xb8;
	[tilespmem:$0x14100] =	vst v63  }
0x54: {  	v3 =	vld [tilespmem:$0x20];
	_ =	sdelay $0x4  }
0x55: {  	v58 =	vshll.u32 v3, $0x3  }
0x56: {  	v3 =	vand.u32 $0x7, v3;
	v4 =	vand.u32 $0xFFFFFFC0, v58  }
0x57: {  	v3 =	vor.u32 v3, v4  }
0x58: {  	v4 =	vperm.xlane v3, v0;
	_ =	sdelay $0x1  }
0x59: {  	v4 =	vadd.s32 v1, v4;
	_ =	sdelay $0x3  }
0x5a: {  	s9 =	simm.s32 $0x8100  }
0x5b: {  	[hbm4b:s3+s2] =	stream.indirect_vreg.scatter [tilespmem:s9], [sflag:$0x1], $0x80, v4, vm0, $0xb8;
	[tilespmem:$0x14100] =	vst v63  }
0x5c: {  	v3 =	vperm.xlane v3, v2  }
0x5d: {  	[hbm4b:s5+s2] =	stream.indirect_vreg.scatter [tilespmem:s25], [sflag:$0x1], $0x80, v4, vm0, $0xb8;
	[tilespmem:$0x14100] =	vst v63  }
0x5e: {  	v3 =	vadd.s32 v1, v3  }
0x5f: {  	[hbm4b:s6+s2] =	stream.indirect_vreg.scatter [tilespmem:s26], [sflag:$0x1], $0x80, v4, vm0, $0xb8;
	[tilespmem:$0x14100] =	vst v63  }
0x60: {  	_ = 	snop  }
0x61: {  	[hbm4b:s7+s2] =	stream.indirect_vreg.scatter [tilespmem:s28], [sflag:$0x1], $0x80, v4, vm0, $0xb8;
	[tilespmem:$0x14100] =	vst v63  }
0x62: {  	s4 =	simm.s32 $0xA100  }
0x63: {  	[hbm4b:s3+s2] =	stream.indirect_vreg.scatter [tilespmem:s4], [sflag:$0x1], $0x80, v3, vm0, $0xb8;
	[tilespmem:$0x14100] =	vst v63  }
0x64: {  	s0 =	simm.s32 $0xA900  }
0x65: {  	[hbm4b:s5+s2] =	stream.indirect_vreg.scatter [tilespmem:s0], [sflag:$0x1], $0x80, v3, vm0, $0xb8;
	[tilespmem:$0x14100] =	vst v63  }
0x66: {  	_ = 	snop  }
0x67: {  	[hbm4b:s6+s2] =	stream.indirect_vreg.scatter [tilespmem:s30], [sflag:$0x1], $0x80, v3, vm0, $0xb8;
	[tilespmem:$0x14100] =	vst v63  }
0x68: {  	_ = 	snop  }
0x69: {  	[hbm4b:s7+s2] =	stream.indirect_vreg.scatter [tilespmem:s31], [sflag:$0x1], $0x80, v3, vm0, $0xb8;
	[tilespmem:$0x14100] =	vst v63  }
0x6a: {  	v3 =	vld [tilespmem:$0x30];
	_ =	sdelay $0x4  }
0x6b: {  	v59 =	vshll.u32 v3, $0x3  }
0x6c: {  	v3 =	vand.u32 $0x7, v3;
	v4 =	vand.u32 $0xFFFFFFC0, v59  }
0x6d: {  	v3 =	vor.u32 v3, v4  }
0x6e: {  	v4 =	vperm.xlane v3, v0;
	_ =	sdelay $0x1  }
0x6f: {  	v4 =	vadd.s32 v1, v4;
	_ =	sdelay $0x3  }
0x70: {  	s0 =	simm.s32 $0xC100  }
0x71: {  	[hbm4b:s3+s2] =	stream.indirect_vreg.scatter [tilespmem:s0], [sflag:$0x1], $0x80, v4, vm0, $0xb8;
	[tilespmem:$0x14100] =	vst v63  }
0x72: {  	v3 =	vperm.xlane v3, v2;
	s0 =	simm.s32 $0xC900  }
0x73: {  	[hbm4b:s5+s2] =	stream.indirect_vreg.scatter [tilespmem:s0], [sflag:$0x1], $0x80, v4, vm0, $0xb8;
	[tilespmem:$0x14100] =	vst v63  }
0x74: {  	v3 =	vadd.s32 v1, v3;
	s0 =	simm.s32 $0xD100  }
0x75: {  	[hbm4b:s6+s2] =	stream.indirect_vreg.scatter [tilespmem:s0], [sflag:$0x1], $0x80, v4, vm0, $0xb8;
	[tilespmem:$0x14100] =	vst v63  }
0x76: {  	s0 =	simm.s32 $0xD900  }
0x77: {  	[hbm4b:s7+s2] =	stream.indirect_vreg.scatter [tilespmem:s0], [sflag:$0x1], $0x80, v4, vm0, $0xb8;
	[tilespmem:$0x14100] =	vst v63  }
0x78: {  	s0 =	simm.s32 $0xE100  }
0x79: {  	[hbm4b:s3+s2] =	stream.indirect_vreg.scatter [tilespmem:s0], [sflag:$0x1], $0x80, v3, vm0, $0xb8;
	[tilespmem:$0x14100] =	vst v63  }
0x7a: {  	s0 =	simm.s32 $0xE900  }
0x7b: {  	[hbm4b:s5+s2] =	stream.indirect_vreg.scatter [tilespmem:s0], [sflag:$0x1], $0x80, v3, vm0, $0xb8;
	[tilespmem:$0x14100] =	vst v63  }
0x7c: {  	s0 =	simm.s32 $0xF100  }
0x7d: {  	[hbm4b:s6+s2] =	stream.indirect_vreg.scatter [tilespmem:s0], [sflag:$0x1], $0x80, v3, vm0, $0xb8;
	[tilespmem:$0x14100] =	vst v63  }
0x7e: {  	s0 =	simm.s32 $0xF900  }
0x7f: {  	[hbm4b:s7+s2] =	stream.indirect_vreg.scatter [tilespmem:s0], [sflag:$0x1], $0x80, v3, vm0, $0xb8;
	[tilespmem:$0x14100] =	vst v63  }
0x80: {  	v3 =	vld [tilespmem:$0x80];
	_ =	sdelay $0x4  }
0x81: {  	v60 =	vshll.u32 v3, $0x3  }
0x82: {  	v3 =	vand.u32 $0x7, v3;
	v4 =	vand.u32 $0xFFFFFFC0, v60  }
0x83: {  	v3 =	vor.u32 v3, v4  }
0x84: {  	v4 =	vperm.xlane v3, v0;
	_ =	sdelay $0x1  }
0x85: {  	v4 =	vadd.s32 v1, v4;
	_ =	sdelay $0x4  }
0x86: {  	[hbm4b:s3+s2] =	stream.indirect_vreg.scatter [tilespmem:s24], [sflag:$0x2], $0x80, v4, vm0, $0xb8;
	[tilespmem:$0x14100] =	vst v63  }
0x87: {  	v3 =	vperm.xlane v3, v2  }
0x88: {  	[hbm4b:s5+s2] =	stream.indirect_vreg.scatter [tilespmem:s29], [sflag:$0x2], $0x80, v4, vm0, $0xb8;
	[tilespmem:$0x14100] =	vst v63  }
0x89: {  	v3 =	vadd.s32 v1, v3  }
0x8a: {  	[hbm4b:s6+s2] =	stream.indirect_vreg.scatter [tilespmem:s1], [sflag:$0x2], $0x80, v4, vm0, $0xb8;
	[tilespmem:$0x14100] =	vst v63  }
0x8b: {  	_ = 	snop  }
0x8c: {  	[hbm4b:s7+s2] =	stream.indirect_vreg.scatter [tilespmem:s11], [sflag:$0x2], $0x80, v4, vm0, $0xb8;
	[tilespmem:$0x14100] =	vst v63  }
0x8d: {  	_ = 	snop  }
0x8e: {  	[hbm4b:s3+s2] =	stream.indirect_vreg.scatter [tilespmem:s12], [sflag:$0x2], $0x80, v3, vm0, $0xb8;
	[tilespmem:$0x14100] =	vst v63  }
0x8f: {  	_ = 	snop  }
0x90: {  	[hbm4b:s5+s2] =	stream.indirect_vreg.scatter [tilespmem:s13], [sflag:$0x2], $0x80, v3, vm0, $0xb8;
	[tilespmem:$0x14100] =	vst v63  }
0x91: {  	_ = 	snop  }
0x92: {  	[hbm4b:s6+s2] =	stream.indirect_vreg.scatter [tilespmem:s14], [sflag:$0x2], $0x80, v3, vm0, $0xb8;
	[tilespmem:$0x14100] =	vst v63  }
0x93: {  	_ = 	snop  }
0x94: {  	[hbm4b:s7+s2] =	stream.indirect_vreg.scatter [tilespmem:s15], [sflag:$0x2], $0x80, v3, vm0, $0xb8;
	[tilespmem:$0x14100] =	vst v63  }
0x95: {  	v3 =	vld [tilespmem:$0x90];
	_ =	sdelay $0x4  }
0x96: {  	v61 =	vshll.u32 v3, $0x3  }
0x97: {  	v3 =	vand.u32 $0x7, v3;
	v4 =	vand.u32 $0xFFFFFFC0, v61  }
0x98: {  	v3 =	vor.u32 v3, v4  }
0x99: {  	v4 =	vperm.xlane v3, v0;
	_ =	sdelay $0x1  }
0x9a: {  	v4 =	vadd.s32 v1, v4;
	_ =	sdelay $0x4  }
0x9b: {  	[hbm4b:s3+s2] =	stream.indirect_vreg.scatter [tilespmem:s16], [sflag:$0x2], $0x80, v4, vm0, $0xb8;
	[tilespmem:$0x14100] =	vst v63  }
0x9c: {  	v3 =	vperm.xlane v3, v2  }
0x9d: {  	[hbm4b:s5+s2] =	stream.indirect_vreg.scatter [tilespmem:s17], [sflag:$0x2], $0x80, v4, vm0, $0xb8;
	[tilespmem:$0x14100] =	vst v63  }
0x9e: {  	v3 =	vadd.s32 v1, v3  }
0x9f: {  	[hbm4b:s6+s2] =	stream.indirect_vreg.scatter [tilespmem:s18], [sflag:$0x2], $0x80, v4, vm0, $0xb8;
	[tilespmem:$0x14100] =	vst v63  }
0xa0: {  	_ = 	snop  }
0xa1: {  	[hbm4b:s7+s2] =	stream.indirect_vreg.scatter [tilespmem:s19], [sflag:$0x2], $0x80, v4, vm0, $0xb8;
	[tilespmem:$0x14100] =	vst v63  }
0xa2: {  	_ = 	snop  }
0xa3: {  	[hbm4b:s3+s2] =	stream.indirect_vreg.scatter [tilespmem:s20], [sflag:$0x2], $0x80, v3, vm0, $0xb8;
	[tilespmem:$0x14100] =	vst v63  }
0xa4: {  	_ = 	snop  }
0xa5: {  	[hbm4b:s5+s2] =	stream.indirect_vreg.scatter [tilespmem:s21], [sflag:$0x2], $0x80, v3, vm0, $0xb8;
	[tilespmem:$0x14100] =	vst v63  }
0xa6: {  	_ = 	snop  }
0xa7: {  	[hbm4b:s6+s2] =	stream.indirect_vreg.scatter [tilespmem:s22], [sflag:$0x2], $0x80, v3, vm0, $0xb8;
	[tilespmem:$0x14100] =	vst v63  }
0xa8: {  	_ = 	snop  }
0xa9: {  	[hbm4b:s7+s2] =	stream.indirect_vreg.scatter [tilespmem:s23], [sflag:$0x2], $0x80, v3, vm0, $0xb8;
	[tilespmem:$0x14100] =	vst v63  }
0xaa: {  	v3 =	vld [tilespmem:$0xA0];
	_ =	sdelay $0x4  }
0xab: {  	v62 =	vshll.u32 v3, $0x3  }
0xac: {  	v3 =	vand.u32 $0x7, v3;
	v4 =	vand.u32 $0xFFFFFFC0, v62  }
0xad: {  	v3 =	vor.u32 v3, v4  }
0xae: {  	v4 =	vperm.xlane v3, v0;
	_ =	sdelay $0x1  }
0xaf: {  	v4 =	vadd.s32 v1, v4;
	_ =	sdelay $0x4  }
0xb0: {  	[hbm4b:s3+s2] =	stream.indirect_vreg.scatter [tilespmem:s9], [sflag:$0x2], $0x80, v4, vm0, $0xb8;
	[tilespmem:$0x14100] =	vst v63  }
0xb1: {  	v3 =	vperm.xlane v3, v2  }
0xb2: {  	[hbm4b:s5+s2] =	stream.indirect_vreg.scatter [tilespmem:s25], [sflag:$0x2], $0x80, v4, vm0, $0xb8;
	[tilespmem:$0x14100] =	vst v63  }
0xb3: {  	v3 =	vadd.s32 v1, v3  }
0xb4: {  	[hbm4b:s6+s2] =	stream.indirect_vreg.scatter [tilespmem:s26], [sflag:$0x2], $0x80, v4, vm0, $0xb8;
	[tilespmem:$0x14100] =	vst v63  }
0xb5: {  	_ = 	snop  }
0xb6: {  	[hbm4b:s7+s2] =	stream.indirect_vreg.scatter [tilespmem:s28], [sflag:$0x2], $0x80, v4, vm0, $0xb8;
	[tilespmem:$0x14100] =	vst v63  }
0xb7: {  	_ = 	snop  }
0xb8: {  	[hbm4b:s3+s2] =	stream.indirect_vreg.scatter [tilespmem:s4], [sflag:$0x2], $0x80, v3, vm0, $0xb8;
	[tilespmem:$0x14100] =	vst v63  }
0xb9: {  	s4 =	simm.s32 $0xA900  }
0xba: {  	[hbm4b:s5+s2] =	stream.indirect_vreg.scatter [tilespmem:s4], [sflag:$0x2], $0x80, v3, vm0, $0xb8;
	[tilespmem:$0x14100] =	vst v63  }
0xbb: {  	_ = 	snop  }
0xbc: {  	[hbm4b:s6+s2] =	stream.indirect_vreg.scatter [tilespmem:s30], [sflag:$0x2], $0x80, v3, vm0, $0xb8;
	[tilespmem:$0x14100] =	vst v63  }
0xbd: {  	_ = 	snop  }
0xbe: {  	[hbm4b:s7+s2] =	stream.indirect_vreg.scatter [tilespmem:s31], [sflag:$0x2], $0x80, v3, vm0, $0xb8;
	[tilespmem:$0x14100] =	vst v63  }
0xbf: {  	v3 =	vld [tilespmem:$0xB0];
	_ =	sdelay $0x4  }
0xc0: {  	v63 =	vshll.u32 v3, $0x3  }
0xc1: {  	v3 =	vand.u32 $0x7, v3;
	v4 =	vand.u32 $0xFFFFFFC0, v63  }
0xc2: {  	v3 =	vor.u32 v3, v4  }
0xc3: {  	v4 =	vperm.xlane v3, v0;
	_ =	sdelay $0x1  }
0xc4: {  	v4 =	vadd.s32 v1, v4;
	_ =	sdelay $0x3  }
0xc5: {  	s9 =	simm.s32 $0xC100  }
0xc6: {  	[hbm4b:s3+s2] =	stream.indirect_vreg.scatter [tilespmem:s9], [sflag:$0x2], $0x80, v4, vm0, $0xb8;
	[tilespmem:$0x14100] =	vst v63  }
0xc7: {  	s29 =	simm.s32 $0xC900;
	v3 =	vperm.xlane v3, v2  }
0xc8: {  	[hbm4b:s5+s2] =	stream.indirect_vreg.scatter [tilespmem:s29], [sflag:$0x2], $0x80, v4, vm0, $0xb8;
	[tilespmem:$0x14100] =	vst v63  }
0xc9: {  	s4 =	simm.s32 $0xD100;
	v3 =	vadd.s32 v1, v3  }
0xca: {  	[hbm4b:s6+s2] =	stream.indirect_vreg.scatter [tilespmem:s4], [sflag:$0x2], $0x80, v4, vm0, $0xb8;
	[tilespmem:$0x14100] =	vst v63  }
0xcb: {  	s9 =	simm.s32 $0xD900  }
0xcc: {  	[hbm4b:s7+s2] =	stream.indirect_vreg.scatter [tilespmem:s9], [sflag:$0x2], $0x80, v4, vm0, $0xb8;
	[tilespmem:$0x14100] =	vst v63  }
0xcd: {  	s29 =	simm.s32 $0xE100  }
0xce: {  	[hbm4b:s3+s2] =	stream.indirect_vreg.scatter [tilespmem:s29], [sflag:$0x2], $0x80, v3, vm0, $0xb8;
	[tilespmem:$0x14100] =	vst v63  }
0xcf: {  	s4 =	simm.s32 $0xE900  }
0xd0: {  	[hbm4b:s5+s2] =	stream.indirect_vreg.scatter [tilespmem:s4], [sflag:$0x2], $0x80, v3, vm0, $0xb8;
	[tilespmem:$0x14100] =	vst v63  }
0xd1: {  	s9 =	simm.s32 $0xF100  }
0xd2: {  	[hbm4b:s6+s2] =	stream.indirect_vreg.scatter [tilespmem:s9], [sflag:$0x2], $0x80, v3, vm0, $0xb8;
	[tilespmem:$0x14100] =	vst v63  }
0xd3: {  	_ = 	snop  }
0xd4: {  	[hbm4b:s7+s2] =	stream.indirect_vreg.scatter [tilespmem:s0], [sflag:$0x2], $0x80, v3, vm0, $0xb8;
	[tilespmem:$0x14100] =	vst v63  }
0xd5: {  	s1 =	rddreg [dreg:$0x8];
	s29 =	simm.s32 $0x10100;
	s0 =	simm.s32 $0x40  }
0xd6: {  	[hbm4b:s1+s0] =	stream.indirect.scatter [tilespmem:s29], [sflag:$0x3], $0x80, s2, s0, $0xb8;
	[tilespmem:$0x14100] =	vst v63  }
0xd7: {  	s9 =	simm.s32 $0x80;
	s29 =	simm.s32 $0x12100  }
0xd8: {  	[hbm4b:s1+s0] =	stream.indirect.scatter [tilespmem:s29], [sflag:$0x4], $0x80, s9, s0, $0xb8;
	[tilespmem:$0x14100] =	vst v63  }
0xd9: {  	s1 =	simm.s32 $0x1  }
0xda: {  	_ =	swait.ge [sflag:s1], $0x10000  }
0xdb: {  	[sflag:s1] =	ssyncset.done $0x0  }
0xdc: {  	s4 =	simm.s32 $0x2;
	[sflag:s1] =	ssyncadd.s32 $0xFFFF0000  }
0xdd: {  	_ =	swait.ge [sflag:s4], $0x10000  }
0xde: {  	[sflag:s4] =	ssyncset.done $0x0  }
0xdf: {  	s9 =	simm.s32 $0x3;
	[sflag:s4] =	ssyncadd.s32 $0xFFFF0000  }
0xe0: {  	p0 =	sne.s32 s8, $0x1;
	_ =	swait.ge [sflag:s9], $0x2000  }
.Ltmp0:
0xe1: {  	[sflag:s9] =	ssyncset.done $0x0;
	(pc) =	sbr.rel @p0 .LBB2_1-.Ltmp0, $4  }
0xe2: {  	s29 =	simm.s32 $0x4;
	[sflag:s9] =	ssyncadd.s32 $0xFFFFE000  }
0xe3: {  	_ =	swait.ge [sflag:s29], $0x2000  }
0xe4: {  	[sflag:s29] =	ssyncset.done $0x0  }
0xe5: {  	s8 =	sadd.s32 $0xFFFFFFFF, s8;
	[sflag:s29] =	ssyncadd.s32 $0xFFFFE000  }
0xe6: {  	_ =	sfence.sel $0x180000  }
0xe7: {  	[bflag:$0x0] =	sbarrier.arrive $0xFFFF  }
0xe8: {  	_ =	strace $0x90000047  }
0xe9: {  	s0 =	stileid.u32;
	[bflag:$0x2] =	sbarrier.arrive $0xFFFF  }
0xea: {  	p0 =	sne.s32 s0, $0x0;
	s0 =	rddreg [dreg:$0x2]  }
0xeb: {  	s0 =	sadd.s32 @!p0 $0x100000, s0  }
0xec: {  	[sflag:s0] =	ssyncadd.tile.s32 @!p0 $0x1;
	_ =	shalt  }
.Lfunc_end2:
_tile_overlayer_lowered:
.L_overlay_start_2:
0xed: {  	(tag) =	ssettag $0x2  }
0xee: {  	s0 =	rddreg [dreg:$0x0];
	s2 =	stileid.u32  }
0xef: {  	s1 =	rddreg [dreg:$0x1];
	p0 =	sne.s32 s2, $0x0  }
0xf0: {  	s3 =	rddreg [dreg:$0x2];
	[bflag:$0x3] =	sbarrier.arrive $0xFFFF;
	s2 =	simm.s32 @!p0 $0x1C05  }
0xf1: {  	[timem:s3], [sflag:s2] =	dma.local @!p0 [hbm:s0], s1  }
0xf2: {  	s0 =	simm.s32 @!p0 $0x5  }
0xf3: {  	_ =	swait.ge @!p0 [sflag:s0], s1  }
0xf4: {  	s1 =	ssub.s32 @!p0 $0x0, s1;
	[sflag:s0] =	ssyncset.done @!p0 $0x0  }
0xf5: {  	[sflag:s0] =	ssyncadd.s32 @!p0 s1  }
0xf6: {  	[bflag:$0x3] =	sbarrier.arrive $0xFFFF  }
0xf7: {  	_ =	shalt  }

</sc_bundles>
